<compile_context>
chip_gen: v7x
topology: tpu7x:2x2x1
jax: 0.10.2.dev20260603
libtpu: 0.0.44.dev20260713+nightly
codegen_flags: <defaults>
</compile_context>

<pallas_src>
import functools

import jax
import jax.numpy as jnp
from jax import lax
from jax.experimental import pallas as pl
from jax.experimental.pallas import tpu as pltpu
from jax.experimental.pallas import tpu_sc as plsc

_GATHER_DNUMS = lax.GatherDimensionNumbers(
    offset_dims=(), collapsed_slice_dims=(0,), start_index_map=(0,))


def _shuffle(v, perm):
    return lax.gather(v, perm[:, None], _GATHER_DNUMS, slice_sizes=(1,),
                      mode=lax.GatherScatterMode.PROMISE_IN_BOUNDS)


L = 16
NC = 2
NS = 16
NW = NC * NS
CHUNK = 64


def _make_kernel(B, D, V):
    n_chunks = B // (NW * CHUNK)
    b_per_w = n_chunks * CHUNK
    d_vecs = D // L

    mesh = plsc.VectorSubcoreMesh(core_axis_name="c", subcore_axis_name="s")

    @functools.partial(
        pl.kernel,
        mesh=mesh,
        out_type=jax.ShapeDtypeStruct((B,), jnp.float32),
        scratch_types=[
            pltpu.VMEM((b_per_w,), jnp.int32),
            pltpu.VMEM((b_per_w,), jnp.int32),
            pltpu.VMEM((4, CHUNK, D), jnp.float32),
            pltpu.VMEM((4, CHUNK, D), jnp.float32),
            pltpu.VMEM((4, CHUNK, D), jnp.float32),
            pltpu.VMEM((b_per_w,), jnp.float32),
            pltpu.SemaphoreType.DMA((4,)),
            pltpu.SemaphoreType.DMA((4,)),
            pltpu.SemaphoreType.DMA((4,)),
        ],
    )
    def triplet_kernel(mention_hbm, h_hbm, t_hbm, table_hbm, out_hbm,
                       hidx, tidx, hrows, trows, mrows, outv,
                       hsem, tsem, msem):
        wid = lax.axis_index("s") * NC + lax.axis_index("c")
        iot = lax.iota(jnp.int32, L)
        base = wid * b_per_w

        HALF = CHUNK // 2

        def fire_mention(c, p):
            return pltpu.async_copy(
                mention_hbm.at[pl.ds(base + c * CHUNK, CHUNK)],
                mrows.at[p], msem.at[p])

        def fire_gathers(c, p):
            for half in range(2):
                pltpu.async_copy(
                    table_hbm.at[hidx.at[pl.ds(c * CHUNK + half * HALF,
                                               HALF)]],
                    hrows.at[p].at[pl.ds(half * HALF, HALF)], hsem.at[p])
                pltpu.async_copy(
                    table_hbm.at[tidx.at[pl.ds(c * CHUNK + half * HALF,
                                               HALF)]],
                    trows.at[p].at[pl.ds(half * HALF, HALF)], tsem.at[p])

        def fire(c, p):
            fire_mention(c, p)
            fire_gathers(c, p)

        def wait(c, p):
            pltpu.make_async_copy(
                table_hbm.at[hidx.at[pl.ds(c * CHUNK, CHUNK)]],
                hrows.at[p], hsem.at[p]).wait()
            pltpu.make_async_copy(
                table_hbm.at[tidx.at[pl.ds(c * CHUNK, CHUNK)]],
                trows.at[p], tsem.at[p]).wait()
            pltpu.make_async_copy(
                mention_hbm.at[pl.ds(base + c * CHUNK, CHUNK)],
                mrows.at[p], msem.at[p]).wait()

        fire_mention(0, 0)
        hicp = pltpu.async_copy(h_hbm.at[pl.ds(base, b_per_w)], hidx,
                                hsem.at[1])
        ticp = pltpu.async_copy(t_hbm.at[pl.ds(base, b_per_w)], tidx,
                                tsem.at[1])
        hicp.wait()
        ticp.wait()

        def compute(c, p):
            def group_body(g, carry):
                def sub_body(k, tot):
                    for rr in range(2):
                        r = k * 2 + rr
                        row = g * L + r
                        acc = jnp.zeros((L,), jnp.float32)
                        for j in range(d_vecs):
                            hv = hrows[p, row, pl.ds(j * L, L)]
                            tv = trows[p, row, pl.ds(j * L, L)]
                            mv = mrows[p, row, pl.ds(j * L, L)]
                            d = (hv + mv) - tv
                            acc = acc + d * d
                        for sh in (8, 4, 2, 1):
                            acc = acc + _shuffle(acc, iot ^ sh)
                        tot = jnp.where(iot == r, acc, tot)
                    return tot

                tot = lax.fori_loop(0, 8, sub_body,
                                    jnp.zeros((L,), jnp.float32))
                x = jnp.clip(tot, jnp.float32(2.0 ** -24),
                             jnp.float32(2.0 ** 40))
                u = x * jnp.float32(2.0 ** 24)
                yac = jnp.full((L,), 2.0 ** 12, jnp.float32)
                for s in (32, 16, 8, 4, 2, 1):
                    cond = u >= jnp.float32(2.0 ** s)
                    u = jnp.where(cond, u * jnp.float32(2.0 ** -s), u)
                    yac = jnp.where(
                        cond, yac * jnp.float32(2.0 ** (-s / 2)), yac)
                y = yac * (jnp.float32(1.2989) - jnp.float32(0.2929) * u)
                for _ in range(3):
                    y = y * (jnp.float32(1.5)
                             - jnp.float32(0.5) * x * y * y)
                outv[pl.ds(c * CHUNK + g * L, L)] = -(x * y)
                return carry

            lax.fori_loop(0, CHUNK // L, group_body, 0)

        fire_gathers(0, 0)
        fire(1, 1)
        fire(2, 2)

        def chunk_body(c, carry):
            @pl.when(c + 3 < n_chunks)
            def _():
                fire(c + 3, (c + 3) & 3)

            wait(c, c & 3)
            compute(c, c & 3)
            return carry

        lax.fori_loop(0, n_chunks, chunk_body, 0)

        pltpu.sync_copy(outv, out_hbm.at[pl.ds(base, b_per_w)])

    return triplet_kernel


def kernel(mention, h, t, emb_table):
    B, D = mention.shape
    V = emb_table.shape[0]
    return _make_kernel(B, D, V)(mention, h, t, emb_table)

# --- scband reference (transcript-rebuilt; emitter-appended) ---
"""Pipeline reference for scband-triplet-model-2963527434971 (READ-ONLY COPY).

The authoritative reference and input builder live on the scoring server;
editing this copy changes nothing except your own understanding.
"""

import jax, jax.numpy as jnp
import numpy as np

B = 16384
V = 100000
D = 128

def setup_inputs(seed: int = 0) -> dict:
    key = jax.random.key(seed)
    k1, k2, k3, k4 = jax.random.split(key, 4)
    mention = jax.random.normal(k1, (B, D), dtype=jnp.float32)
    h = jax.random.randint(k2, (B,), 0, V, dtype=jnp.int32)
    t = jax.random.randint(k3, (B,), 0, V, dtype=jnp.int32)
    emb_table = jax.random.normal(k4, (V, D), dtype=jnp.float32) * 0.02
    return {"mention": mention, "h": h, "t": t, "emb_table": emb_table}

def reference(mention, h, t, emb_table):
    # h_emb = self.emb(h); t_emb = self.emb(t)
    h_emb = jnp.take(emb_table, h, axis=0)
    t_emb = jnp.take(emb_table, t, axis=0)
    # TransE-style triplet score: -||h + mention - t||_2 per triple
    diff = h_emb + mention - t_emb
    score = -jnp.sqrt(jnp.sum(diff * diff, axis=-1))
    return score

if __name__ == "__main__":
    import jax
    _d = setup_inputs()
    print(jax.jit(kernel)(*tuple(_d.values())))

</pallas_src>

<mosaic_0001>
#map = affine_map<(d0, d1) -> (0, 0)>
#map1 = affine_map<(d0, d1) -> (0)>
module attributes {stable_mosaic.version = 14 : i64} {
  func.func @triplet_kernel(%arg0: i32, %arg1: i32, %arg2: memref<16384x128xf32, #tpu.memory_space<hbm>>, %arg3: memref<16384xi32, #tpu.memory_space<hbm>>, %arg4: memref<16384xi32, #tpu.memory_space<hbm>>, %arg5: memref<100000x128xf32, #tpu.memory_space<hbm>>, %arg6: memref<16384xf32, #tpu.memory_space<hbm>>, %arg7: memref<512xi32, #tpu.memory_space<vmem>>, %arg8: memref<512xi32, #tpu.memory_space<vmem>>, %arg9: memref<4x64x128xf32, #tpu.memory_space<vmem>>, %arg10: memref<4x64x128xf32, #tpu.memory_space<vmem>>, %arg11: memref<4x64x128xf32, #tpu.memory_space<vmem>>, %arg12: memref<512xf32, #tpu.memory_space<vmem>>, %arg13: memref<4x!tpu.dma_semaphore, #tpu.memory_space<semaphore_mem>>, %arg14: memref<4x!tpu.dma_semaphore, #tpu.memory_space<semaphore_mem>>, %arg15: memref<4x!tpu.dma_semaphore, #tpu.memory_space<semaphore_mem>>) attributes {dimension_semantics = [#tpu.dimension_semantics<core_parallel>, #tpu.dimension_semantics<subcore_parallel>], iteration_bounds = array<i64: 2, 16>, scalar_prefetch = 0 : i64, scratch_operands = 9 : i64, tpu.core_type = #tpu.core_type<sc_vector_subcore>, window_params = [{transform_indices = #map}, {transform_indices = #map1}, {transform_indices = #map1}, {transform_indices = #map}, {transform_indices = #map1}]} {
    %mul3A = arith.constant 2 : i32
    %mul3A_0 = arith.muli %arg1, %mul3A : i32
    %add3A = arith.addi %mul3A_0, %arg0 : i32
    %iota3A = tpu.iota {dimensions = array<i32: 0>} : vector<16xi32>
    %mul3A_1 = arith.constant 512 : i32
    %mul3A_2 = arith.muli %add3A, %mul3A_1 : i32
    %add3A_3 = arith.constant 0 : i32
    %add3A_4 = arith.addi %mul3A_2, %add3A_3 : i32
    %dma_start3A = arith.constant 0 : i32
    %dma_start3A_5 = arith.constant 0 : i32
    %dma_start3A_6 = arith.constant 0 : i32
    %dma_start3A_7 = arith.constant 0 : i32
    %dma_start3A_8 = tpu.memref_slice %arg11[%dma_start3A, %dma_start3A_6, %dma_start3A_7] : memref<4x64x128xf32, #tpu.memory_space<vmem>> -> memref<1x64x128xf32, #tpu.memory_space<vmem>>
    %dma_start3A_9 = tpu.memref_squeeze %dma_start3A_8 : memref<1x64x128xf32, #tpu.memory_space<vmem>> -> memref<64x128xf32, #tpu.memory_space<vmem>>
    %dma_start3A_10 = arith.constant 0 : i32
    %dma_start3A_11 = tpu.memref_slice %arg2[%add3A_4, %dma_start3A_10] : memref<16384x128xf32, #tpu.memory_space<hbm>> -> memref<64x128xf32, #tpu.memory_space<hbm>>
    %dma_start3A_12 = tpu.memref_slice %arg15[%dma_start3A_5] : memref<4x!tpu.dma_semaphore, #tpu.memory_space<semaphore_mem>> -> memref<1x!tpu.dma_semaphore, #tpu.memory_space<semaphore_mem>>
    %dma_start3A_13 = tpu.memref_squeeze %dma_start3A_12 : memref<1x!tpu.dma_semaphore, #tpu.memory_space<semaphore_mem>> -> memref<!tpu.dma_semaphore, #tpu.memory_space<semaphore_mem>>
    %dma_start3A_14 = arith.constant 0 : i32
    %dma_start3A_15 = arith.constant 0 : i32
    %dma_start3A_16 = tpu.memref_slice %arg11[%dma_start3A, %dma_start3A_14, %dma_start3A_15] : memref<4x64x128xf32, #tpu.memory_space<vmem>> -> memref<1x64x128xf32, #tpu.memory_space<vmem>>
    %dma_start3A_17 = tpu.memref_squeeze %dma_start3A_16 : memref<1x64x128xf32, #tpu.memory_space<vmem>> -> memref<64x128xf32, #tpu.memory_space<vmem>>
    %dma_start3A_18 = arith.constant 0 : i32
    %dma_start3A_19 = tpu.memref_slice %arg2[%add3A_4, %dma_start3A_18] : memref<16384x128xf32, #tpu.memory_space<hbm>> -> memref<64x128xf32, #tpu.memory_space<hbm>>
    tpu.enqueue_dma source(%dma_start3A_19 : memref<64x128xf32, #tpu.memory_space<hbm>>) target(%dma_start3A_17 : memref<64x128xf32, #tpu.memory_space<vmem>>) target_semaphore(%dma_start3A_13 : memref<!tpu.dma_semaphore, #tpu.memory_space<semaphore_mem>>)
    %dma_start3A_20 = arith.constant 1 : i32
    %dma_start3A_21 = tpu.memref_slice %arg3[%mul3A_2] : memref<16384xi32, #tpu.memory_space<hbm>> -> memref<512xi32, #tpu.memory_space<hbm>>
    %dma_start3A_22 = tpu.memref_slice %arg13[%dma_start3A_20] : memref<4x!tpu.dma_semaphore, #tpu.memory_space<semaphore_mem>> -> memref<1x!tpu.dma_semaphore, #tpu.memory_space<semaphore_mem>>
    %dma_start3A_23 = tpu.memref_squeeze %dma_start3A_22 : memref<1x!tpu.dma_semaphore, #tpu.memory_space<semaphore_mem>> -> memref<!tpu.dma_semaphore, #tpu.memory_space<semaphore_mem>>
    %dma_start3A_24 = tpu.memref_slice %arg3[%mul3A_2] : memref<16384xi32, #tpu.memory_space<hbm>> -> memref<512xi32, #tpu.memory_space<hbm>>
    tpu.enqueue_dma source(%dma_start3A_24 : memref<512xi32, #tpu.memory_space<hbm>>) target(%arg7 : memref<512xi32, #tpu.memory_space<vmem>>) target_semaphore(%dma_start3A_23 : memref<!tpu.dma_semaphore, #tpu.memory_space<semaphore_mem>>)
    %dma_start3A_25 = arith.constant 1 : i32
    %dma_start3A_26 = tpu.memref_slice %arg4[%mul3A_2] : memref<16384xi32, #tpu.memory_space<hbm>> -> memref<512xi32, #tpu.memory_space<hbm>>
    %dma_start3A_27 = tpu.memref_slice %arg14[%dma_start3A_25] : memref<4x!tpu.dma_semaphore, #tpu.memory_space<semaphore_mem>> -> memref<1x!tpu.dma_semaphore, #tpu.memory_space<semaphore_mem>>
    %dma_start3A_28 = tpu.memref_squeeze %dma_start3A_27 : memref<1x!tpu.dma_semaphore, #tpu.memory_space<semaphore_mem>> -> memref<!tpu.dma_semaphore, #tpu.memory_space<semaphore_mem>>
    %dma_start3A_29 = tpu.memref_slice %arg4[%mul3A_2] : memref<16384xi32, #tpu.memory_space<hbm>> -> memref<512xi32, #tpu.memory_space<hbm>>
    tpu.enqueue_dma source(%dma_start3A_29 : memref<512xi32, #tpu.memory_space<hbm>>) target(%arg8 : memref<512xi32, #tpu.memory_space<vmem>>) target_semaphore(%dma_start3A_28 : memref<!tpu.dma_semaphore, #tpu.memory_space<semaphore_mem>>)
    %dma_wait3A = arith.constant 1 : i32
    %dma_wait3A_30 = tpu.memref_slice %arg3[%mul3A_2] : memref<16384xi32, #tpu.memory_space<hbm>> -> memref<512xi32, #tpu.memory_space<hbm>>
    %dma_wait3A_31 = tpu.memref_slice %arg13[%dma_wait3A] : memref<4x!tpu.dma_semaphore, #tpu.memory_space<semaphore_mem>> -> memref<1x!tpu.dma_semaphore, #tpu.memory_space<semaphore_mem>>
    %dma_wait3A_32 = tpu.memref_squeeze %dma_wait3A_31 : memref<1x!tpu.dma_semaphore, #tpu.memory_space<semaphore_mem>> -> memref<!tpu.dma_semaphore, #tpu.memory_space<semaphore_mem>>
    %dma_wait3A_33 = tpu.memref_slice %arg3[%mul3A_2] : memref<16384xi32, #tpu.memory_space<hbm>> -> memref<512xi32, #tpu.memory_space<hbm>>
    tpu.wait_dma2 semaphore(%dma_wait3A_32 : memref<!tpu.dma_semaphore, #tpu.memory_space<semaphore_mem>>) src(%dma_wait3A_33 : memref<512xi32, #tpu.memory_space<hbm>>) dst(%arg7 : memref<512xi32, #tpu.memory_space<vmem>>)
    %dma_wait3A_34 = arith.constant 1 : i32
    %dma_wait3A_35 = tpu.memref_slice %arg4[%mul3A_2] : memref<16384xi32, #tpu.memory_space<hbm>> -> memref<512xi32, #tpu.memory_space<hbm>>
    %dma_wait3A_36 = tpu.memref_slice %arg14[%dma_wait3A_34] : memref<4x!tpu.dma_semaphore, #tpu.memory_space<semaphore_mem>> -> memref<1x!tpu.dma_semaphore, #tpu.memory_space<semaphore_mem>>
    %dma_wait3A_37 = tpu.memref_squeeze %dma_wait3A_36 : memref<1x!tpu.dma_semaphore, #tpu.memory_space<semaphore_mem>> -> memref<!tpu.dma_semaphore, #tpu.memory_space<semaphore_mem>>
    %dma_wait3A_38 = tpu.memref_slice %arg4[%mul3A_2] : memref<16384xi32, #tpu.memory_space<hbm>> -> memref<512xi32, #tpu.memory_space<hbm>>
    tpu.wait_dma2 semaphore(%dma_wait3A_37 : memref<!tpu.dma_semaphore, #tpu.memory_space<semaphore_mem>>) src(%dma_wait3A_38 : memref<512xi32, #tpu.memory_space<hbm>>) dst(%arg8 : memref<512xi32, #tpu.memory_space<vmem>>)
    %dma_start3A_39 = arith.constant 0 : i32
    %dma_start3A_40 = arith.constant 0 : i32
    %dma_start3A_41 = arith.constant 0 : i32
    %dma_start3A_42 = arith.constant 0 : i32
    %dma_start3A_43 = tpu.memref_slice %arg9[%dma_start3A_39, %dma_start3A_41, %dma_start3A_42] : memref<4x64x128xf32, #tpu.memory_space<vmem>> -> memref<1x64x128xf32, #tpu.memory_space<vmem>>
    %dma_start3A_44 = tpu.memref_squeeze %dma_start3A_43 : memref<1x64x128xf32, #tpu.memory_space<vmem>> -> memref<64x128xf32, #tpu.memory_space<vmem>>
    %dma_start3A_45 = arith.constant 0 : i32
    %dma_start3A_46 = arith.constant 0 : i32
    %dma_start3A_47 = tpu.memref_slice %dma_start3A_44[%dma_start3A_45, %dma_start3A_46] : memref<64x128xf32, #tpu.memory_space<vmem>> -> memref<32x128xf32, #tpu.memory_space<vmem>>
    %dma_start3A_48 = arith.constant 0 : i32
    %dma_start3A_49 = tpu.memref_slice %arg7[%dma_start3A_48] : memref<512xi32, #tpu.memory_space<vmem>> -> memref<32xi32, #tpu.memory_space<vmem>>
    %dma_start3A_50 = arith.constant 0 : i32
    %dma_start3A_51 = arith.constant 0 : i32
    %dma_start3A_52 = tpu.memref_slice %arg5[%dma_start3A_50, %dma_start3A_51] : memref<100000x128xf32, #tpu.memory_space<hbm>> -> memref<100000x128xf32, #tpu.memory_space<hbm>>
    %dma_start3A_53 = tpu.memref_slice %arg13[%dma_start3A_40] : memref<4x!tpu.dma_semaphore, #tpu.memory_space<semaphore_mem>> -> memref<1x!tpu.dma_semaphore, #tpu.memory_space<semaphore_mem>>
    %dma_start3A_54 = tpu.memref_squeeze %dma_start3A_53 : memref<1x!tpu.dma_semaphore, #tpu.memory_space<semaphore_mem>> -> memref<!tpu.dma_semaphore, #tpu.memory_space<semaphore_mem>>
    tpu.enqueue_indirect_dma source(%dma_start3A_52 : memref<100000x128xf32, #tpu.memory_space<hbm>>) target(%dma_start3A_47 : memref<32x128xf32, #tpu.memory_space<vmem>>) offsets(%dma_start3A_49 : memref<32xi32, #tpu.memory_space<vmem>>) semaphore(%dma_start3A_54 : memref<!tpu.dma_semaphore, #tpu.memory_space<semaphore_mem>>)
    %dma_start3A_55 = arith.constant 0 : i32
    %dma_start3A_56 = arith.constant 0 : i32
    %dma_start3A_57 = arith.constant 0 : i32
    %dma_start3A_58 = arith.constant 0 : i32
    %dma_start3A_59 = tpu.memref_slice %arg10[%dma_start3A_55, %dma_start3A_57, %dma_start3A_58] : memref<4x64x128xf32, #tpu.memory_space<vmem>> -> memref<1x64x128xf32, #tpu.memory_space<vmem>>
    %dma_start3A_60 = tpu.memref_squeeze %dma_start3A_59 : memref<1x64x128xf32, #tpu.memory_space<vmem>> -> memref<64x128xf32, #tpu.memory_space<vmem>>
    %dma_start3A_61 = arith.constant 0 : i32
    %dma_start3A_62 = arith.constant 0 : i32
    %dma_start3A_63 = tpu.memref_slice %dma_start3A_60[%dma_start3A_61, %dma_start3A_62] : memref<64x128xf32, #tpu.memory_space<vmem>> -> memref<32x128xf32, #tpu.memory_space<vmem>>
    %dma_start3A_64 = arith.constant 0 : i32
    %dma_start3A_65 = tpu.memref_slice %arg8[%dma_start3A_64] : memref<512xi32, #tpu.memory_space<vmem>> -> memref<32xi32, #tpu.memory_space<vmem>>
    %dma_start3A_66 = arith.constant 0 : i32
    %dma_start3A_67 = arith.constant 0 : i32
    %dma_start3A_68 = tpu.memref_slice %arg5[%dma_start3A_66, %dma_start3A_67] : memref<100000x128xf32, #tpu.memory_space<hbm>> -> memref<100000x128xf32, #tpu.memory_space<hbm>>
    %dma_start3A_69 = tpu.memref_slice %arg14[%dma_start3A_56] : memref<4x!tpu.dma_semaphore, #tpu.memory_space<semaphore_mem>> -> memref<1x!tpu.dma_semaphore, #tpu.memory_space<semaphore_mem>>
    %dma_start3A_70 = tpu.memref_squeeze %dma_start3A_69 : memref<1x!tpu.dma_semaphore, #tpu.memory_space<semaphore_mem>> -> memref<!tpu.dma_semaphore, #tpu.memory_space<semaphore_mem>>
    tpu.enqueue_indirect_dma source(%dma_start3A_68 : memref<100000x128xf32, #tpu.memory_space<hbm>>) target(%dma_start3A_63 : memref<32x128xf32, #tpu.memory_space<vmem>>) offsets(%dma_start3A_65 : memref<32xi32, #tpu.memory_space<vmem>>) semaphore(%dma_start3A_70 : memref<!tpu.dma_semaphore, #tpu.memory_space<semaphore_mem>>)
    %dma_start3A_71 = arith.constant 0 : i32
    %dma_start3A_72 = arith.constant 0 : i32
    %dma_start3A_73 = arith.constant 0 : i32
    %dma_start3A_74 = arith.constant 0 : i32
    %dma_start3A_75 = tpu.memref_slice %arg9[%dma_start3A_71, %dma_start3A_73, %dma_start3A_74] : memref<4x64x128xf32, #tpu.memory_space<vmem>> -> memref<1x64x128xf32, #tpu.memory_space<vmem>>
    %dma_start3A_76 = tpu.memref_squeeze %dma_start3A_75 : memref<1x64x128xf32, #tpu.memory_space<vmem>> -> memref<64x128xf32, #tpu.memory_space<vmem>>
    %dma_start3A_77 = arith.constant 32 : i32
    %dma_start3A_78 = arith.constant 0 : i32
    %dma_start3A_79 = tpu.memref_slice %dma_start3A_76[%dma_start3A_77, %dma_start3A_78] : memref<64x128xf32, #tpu.memory_space<vmem>> -> memref<32x128xf32, #tpu.memory_space<vmem>>
    %dma_start3A_80 = arith.constant 32 : i32
    %dma_start3A_81 = tpu.memref_slice %arg7[%dma_start3A_80] : memref<512xi32, #tpu.memory_space<vmem>> -> memref<32xi32, #tpu.memory_space<vmem>>
    %dma_start3A_82 = arith.constant 0 : i32
    %dma_start3A_83 = arith.constant 0 : i32
    %dma_start3A_84 = tpu.memref_slice %arg5[%dma_start3A_82, %dma_start3A_83] : memref<100000x128xf32, #tpu.memory_space<hbm>> -> memref<100000x128xf32, #tpu.memory_space<hbm>>
    %dma_start3A_85 = tpu.memref_slice %arg13[%dma_start3A_72] : memref<4x!tpu.dma_semaphore, #tpu.memory_space<semaphore_mem>> -> memref<1x!tpu.dma_semaphore, #tpu.memory_space<semaphore_mem>>
    %dma_start3A_86 = tpu.memref_squeeze %dma_start3A_85 : memref<1x!tpu.dma_semaphore, #tpu.memory_space<semaphore_mem>> -> memref<!tpu.dma_semaphore, #tpu.memory_space<semaphore_mem>>
    tpu.enqueue_indirect_dma source(%dma_start3A_84 : memref<100000x128xf32, #tpu.memory_space<hbm>>) target(%dma_start3A_79 : memref<32x128xf32, #tpu.memory_space<vmem>>) offsets(%dma_start3A_81 : memref<32xi32, #tpu.memory_space<vmem>>) semaphore(%dma_start3A_86 : memref<!tpu.dma_semaphore, #tpu.memory_space<semaphore_mem>>)
    %dma_start3A_87 = arith.constant 0 : i32
    %dma_start3A_88 = arith.constant 0 : i32
    %dma_start3A_89 = arith.constant 0 : i32
    %dma_start3A_90 = arith.constant 0 : i32
    %dma_start3A_91 = tpu.memref_slice %arg10[%dma_start3A_87, %dma_start3A_89, %dma_start3A_90] : memref<4x64x128xf32, #tpu.memory_space<vmem>> -> memref<1x64x128xf32, #tpu.memory_space<vmem>>
    %dma_start3A_92 = tpu.memref_squeeze %dma_start3A_91 : memref<1x64x128xf32, #tpu.memory_space<vmem>> -> memref<64x128xf32, #tpu.memory_space<vmem>>
    %dma_start3A_93 = arith.constant 32 : i32
    %dma_start3A_94 = arith.constant 0 : i32
    %dma_start3A_95 = tpu.memref_slice %dma_start3A_92[%dma_start3A_93, %dma_start3A_94] : memref<64x128xf32, #tpu.memory_space<vmem>> -> memref<32x128xf32, #tpu.memory_space<vmem>>
    %dma_start3A_96 = arith.constant 32 : i32
    %dma_start3A_97 = tpu.memref_slice %arg8[%dma_start3A_96] : memref<512xi32, #tpu.memory_space<vmem>> -> memref<32xi32, #tpu.memory_space<vmem>>
    %dma_start3A_98 = arith.constant 0 : i32
    %dma_start3A_99 = arith.constant 0 : i32
    %dma_start3A_100 = tpu.memref_slice %arg5[%dma_start3A_98, %dma_start3A_99] : memref<100000x128xf32, #tpu.memory_space<hbm>> -> memref<100000x128xf32, #tpu.memory_space<hbm>>
    %dma_start3A_101 = tpu.memref_slice %arg14[%dma_start3A_88] : memref<4x!tpu.dma_semaphore, #tpu.memory_space<semaphore_mem>> -> memref<1x!tpu.dma_semaphore, #tpu.memory_space<semaphore_mem>>
    %dma_start3A_102 = tpu.memref_squeeze %dma_start3A_101 : memref<1x!tpu.dma_semaphore, #tpu.memory_space<semaphore_mem>> -> memref<!tpu.dma_semaphore, #tpu.memory_space<semaphore_mem>>
    tpu.enqueue_indirect_dma source(%dma_start3A_100 : memref<100000x128xf32, #tpu.memory_space<hbm>>) target(%dma_start3A_95 : memref<32x128xf32, #tpu.memory_space<vmem>>) offsets(%dma_start3A_97 : memref<32xi32, #tpu.memory_space<vmem>>) semaphore(%dma_start3A_102 : memref<!tpu.dma_semaphore, #tpu.memory_space<semaphore_mem>>)
    %add3A_103 = arith.constant 64 : i32
    %add3A_104 = arith.addi %mul3A_2, %add3A_103 : i32
    %dma_start3A_105 = arith.constant 1 : i32
    %dma_start3A_106 = arith.constant 1 : i32
    %dma_start3A_107 = arith.constant 0 : i32
    %dma_start3A_108 = arith.constant 0 : i32
    %dma_start3A_109 = tpu.memref_slice %arg11[%dma_start3A_105, %dma_start3A_107, %dma_start3A_108] : memref<4x64x128xf32, #tpu.memory_space<vmem>> -> memref<1x64x128xf32, #tpu.memory_space<vmem>>
    %dma_start3A_110 = tpu.memref_squeeze %dma_start3A_109 : memref<1x64x128xf32, #tpu.memory_space<vmem>> -> memref<64x128xf32, #tpu.memory_space<vmem>>
    %dma_start3A_111 = arith.constant 0 : i32
    %dma_start3A_112 = tpu.memref_slice %arg2[%add3A_104, %dma_start3A_111] : memref<16384x128xf32, #tpu.memory_space<hbm>> -> memref<64x128xf32, #tpu.memory_space<hbm>>
    %dma_start3A_113 = tpu.memref_slice %arg15[%dma_start3A_106] : memref<4x!tpu.dma_semaphore, #tpu.memory_space<semaphore_mem>> -> memref<1x!tpu.dma_semaphore, #tpu.memory_space<semaphore_mem>>
    %dma_start3A_114 = tpu.memref_squeeze %dma_start3A_113 : memref<1x!tpu.dma_semaphore, #tpu.memory_space<semaphore_mem>> -> memref<!tpu.dma_semaphore, #tpu.memory_space<semaphore_mem>>
    %dma_start3A_115 = arith.constant 0 : i32
    %dma_start3A_116 = arith.constant 0 : i32
    %dma_start3A_117 = tpu.memref_slice %arg11[%dma_start3A_105, %dma_start3A_115, %dma_start3A_116] : memref<4x64x128xf32, #tpu.memory_space<vmem>> -> memref<1x64x128xf32, #tpu.memory_space<vmem>>
    %dma_start3A_118 = tpu.memref_squeeze %dma_start3A_117 : memref<1x64x128xf32, #tpu.memory_space<vmem>> -> memref<64x128xf32, #tpu.memory_space<vmem>>
    %dma_start3A_119 = arith.constant 0 : i32
    %dma_start3A_120 = tpu.memref_slice %arg2[%add3A_104, %dma_start3A_119] : memref<16384x128xf32, #tpu.memory_space<hbm>> -> memref<64x128xf32, #tpu.memory_space<hbm>>
    tpu.enqueue_dma source(%dma_start3A_120 : memref<64x128xf32, #tpu.memory_space<hbm>>) target(%dma_start3A_118 : memref<64x128xf32, #tpu.memory_space<vmem>>) target_semaphore(%dma_start3A_114 : memref<!tpu.dma_semaphore, #tpu.memory_space<semaphore_mem>>)
    %dma_start3A_121 = arith.constant 1 : i32
    %dma_start3A_122 = arith.constant 1 : i32
    %dma_start3A_123 = arith.constant 0 : i32
    %dma_start3A_124 = arith.constant 0 : i32
    %dma_start3A_125 = tpu.memref_slice %arg9[%dma_start3A_121, %dma_start3A_123, %dma_start3A_124] : memref<4x64x128xf32, #tpu.memory_space<vmem>> -> memref<1x64x128xf32, #tpu.memory_space<vmem>>
    %dma_start3A_126 = tpu.memref_squeeze %dma_start3A_125 : memref<1x64x128xf32, #tpu.memory_space<vmem>> -> memref<64x128xf32, #tpu.memory_space<vmem>>
    %dma_start3A_127 = arith.constant 0 : i32
    %dma_start3A_128 = arith.constant 0 : i32
    %dma_start3A_129 = tpu.memref_slice %dma_start3A_126[%dma_start3A_127, %dma_start3A_128] : memref<64x128xf32, #tpu.memory_space<vmem>> -> memref<32x128xf32, #tpu.memory_space<vmem>>
    %dma_start3A_130 = arith.constant 64 : i32
    %dma_start3A_131 = tpu.memref_slice %arg7[%dma_start3A_130] : memref<512xi32, #tpu.memory_space<vmem>> -> memref<32xi32, #tpu.memory_space<vmem>>
    %dma_start3A_132 = arith.constant 0 : i32
    %dma_start3A_133 = arith.constant 0 : i32
    %dma_start3A_134 = tpu.memref_slice %arg5[%dma_start3A_132, %dma_start3A_133] : memref<100000x128xf32, #tpu.memory_space<hbm>> -> memref<100000x128xf32, #tpu.memory_space<hbm>>
    %dma_start3A_135 = tpu.memref_slice %arg13[%dma_start3A_122] : memref<4x!tpu.dma_semaphore, #tpu.memory_space<semaphore_mem>> -> memref<1x!tpu.dma_semaphore, #tpu.memory_space<semaphore_mem>>
    %dma_start3A_136 = tpu.memref_squeeze %dma_start3A_135 : memref<1x!tpu.dma_semaphore, #tpu.memory_space<semaphore_mem>> -> memref<!tpu.dma_semaphore, #tpu.memory_space<semaphore_mem>>
    tpu.enqueue_indirect_dma source(%dma_start3A_134 : memref<100000x128xf32, #tpu.memory_space<hbm>>) target(%dma_start3A_129 : memref<32x128xf32, #tpu.memory_space<vmem>>) offsets(%dma_start3A_131 : memref<32xi32, #tpu.memory_space<vmem>>) semaphore(%dma_start3A_136 : memref<!tpu.dma_semaphore, #tpu.memory_space<semaphore_mem>>)
    %dma_start3A_137 = arith.constant 1 : i32
    %dma_start3A_138 = arith.constant 1 : i32
    %dma_start3A_139 = arith.constant 0 : i32
    %dma_start3A_140 = arith.constant 0 : i32
    %dma_start3A_141 = tpu.memref_slice %arg10[%dma_start3A_137, %dma_start3A_139, %dma_start3A_140] : memref<4x64x128xf32, #tpu.memory_space<vmem>> -> memref<1x64x128xf32, #tpu.memory_space<vmem>>
    %dma_start3A_142 = tpu.memref_squeeze %dma_start3A_141 : memref<1x64x128xf32, #tpu.memory_space<vmem>> -> memref<64x128xf32, #tpu.memory_space<vmem>>
    %dma_start3A_143 = arith.constant 0 : i32
    %dma_start3A_144 = arith.constant 0 : i32
    %dma_start3A_145 = tpu.memref_slice %dma_start3A_142[%dma_start3A_143, %dma_start3A_144] : memref<64x128xf32, #tpu.memory_space<vmem>> -> memref<32x128xf32, #tpu.memory_space<vmem>>
    %dma_start3A_146 = arith.constant 64 : i32
    %dma_start3A_147 = tpu.memref_slice %arg8[%dma_start3A_146] : memref<512xi32, #tpu.memory_space<vmem>> -> memref<32xi32, #tpu.memory_space<vmem>>
    %dma_start3A_148 = arith.constant 0 : i32
    %dma_start3A_149 = arith.constant 0 : i32
    %dma_start3A_150 = tpu.memref_slice %arg5[%dma_start3A_148, %dma_start3A_149] : memref<100000x128xf32, #tpu.memory_space<hbm>> -> memref<100000x128xf32, #tpu.memory_space<hbm>>
    %dma_start3A_151 = tpu.memref_slice %arg14[%dma_start3A_138] : memref<4x!tpu.dma_semaphore, #tpu.memory_space<semaphore_mem>> -> memref<1x!tpu.dma_semaphore, #tpu.memory_space<semaphore_mem>>
    %dma_start3A_152 = tpu.memref_squeeze %dma_start3A_151 : memref<1x!tpu.dma_semaphore, #tpu.memory_space<semaphore_mem>> -> memref<!tpu.dma_semaphore, #tpu.memory_space<semaphore_mem>>
    tpu.enqueue_indirect_dma source(%dma_start3A_150 : memref<100000x128xf32, #tpu.memory_space<hbm>>) target(%dma_start3A_145 : memref<32x128xf32, #tpu.memory_space<vmem>>) offsets(%dma_start3A_147 : memref<32xi32, #tpu.memory_space<vmem>>) semaphore(%dma_start3A_152 : memref<!tpu.dma_semaphore, #tpu.memory_space<semaphore_mem>>)
    %dma_start3A_153 = arith.constant 1 : i32
    %dma_start3A_154 = arith.constant 1 : i32
    %dma_start3A_155 = arith.constant 0 : i32
    %dma_start3A_156 = arith.constant 0 : i32
    %dma_start3A_157 = tpu.memref_slice %arg9[%dma_start3A_153, %dma_start3A_155, %dma_start3A_156] : memref<4x64x128xf32, #tpu.memory_space<vmem>> -> memref<1x64x128xf32, #tpu.memory_space<vmem>>
    %dma_start3A_158 = tpu.memref_squeeze %dma_start3A_157 : memref<1x64x128xf32, #tpu.memory_space<vmem>> -> memref<64x128xf32, #tpu.memory_space<vmem>>
    %dma_start3A_159 = arith.constant 32 : i32
    %dma_start3A_160 = arith.constant 0 : i32
    %dma_start3A_161 = tpu.memref_slice %dma_start3A_158[%dma_start3A_159, %dma_start3A_160] : memref<64x128xf32, #tpu.memory_space<vmem>> -> memref<32x128xf32, #tpu.memory_space<vmem>>
    %dma_start3A_162 = arith.constant 96 : i32
    %dma_start3A_163 = tpu.memref_slice %arg7[%dma_start3A_162] : memref<512xi32, #tpu.memory_space<vmem>> -> memref<32xi32, #tpu.memory_space<vmem>>
    %dma_start3A_164 = arith.constant 0 : i32
    %dma_start3A_165 = arith.constant 0 : i32
    %dma_start3A_166 = tpu.memref_slice %arg5[%dma_start3A_164, %dma_start3A_165] : memref<100000x128xf32, #tpu.memory_space<hbm>> -> memref<100000x128xf32, #tpu.memory_space<hbm>>
    %dma_start3A_167 = tpu.memref_slice %arg13[%dma_start3A_154] : memref<4x!tpu.dma_semaphore, #tpu.memory_space<semaphore_mem>> -> memref<1x!tpu.dma_semaphore, #tpu.memory_space<semaphore_mem>>
    %dma_start3A_168 = tpu.memref_squeeze %dma_start3A_167 : memref<1x!tpu.dma_semaphore, #tpu.memory_space<semaphore_mem>> -> memref<!tpu.dma_semaphore, #tpu.memory_space<semaphore_mem>>
    tpu.enqueue_indirect_dma source(%dma_start3A_166 : memref<100000x128xf32, #tpu.memory_space<hbm>>) target(%dma_start3A_161 : memref<32x128xf32, #tpu.memory_space<vmem>>) offsets(%dma_start3A_163 : memref<32xi32, #tpu.memory_space<vmem>>) semaphore(%dma_start3A_168 : memref<!tpu.dma_semaphore, #tpu.memory_space<semaphore_mem>>)
    %dma_start3A_169 = arith.constant 1 : i32
    %dma_start3A_170 = arith.constant 1 : i32
    %dma_start3A_171 = arith.constant 0 : i32
    %dma_start3A_172 = arith.constant 0 : i32
    %dma_start3A_173 = tpu.memref_slice %arg10[%dma_start3A_169, %dma_start3A_171, %dma_start3A_172] : memref<4x64x128xf32, #tpu.memory_space<vmem>> -> memref<1x64x128xf32, #tpu.memory_space<vmem>>
    %dma_start3A_174 = tpu.memref_squeeze %dma_start3A_173 : memref<1x64x128xf32, #tpu.memory_space<vmem>> -> memref<64x128xf32, #tpu.memory_space<vmem>>
    %dma_start3A_175 = arith.constant 32 : i32
    %dma_start3A_176 = arith.constant 0 : i32
    %dma_start3A_177 = tpu.memref_slice %dma_start3A_174[%dma_start3A_175, %dma_start3A_176] : memref<64x128xf32, #tpu.memory_space<vmem>> -> memref<32x128xf32, #tpu.memory_space<vmem>>
    %dma_start3A_178 = arith.constant 96 : i32
    %dma_start3A_179 = tpu.memref_slice %arg8[%dma_start3A_178] : memref<512xi32, #tpu.memory_space<vmem>> -> memref<32xi32, #tpu.memory_space<vmem>>
    %dma_start3A_180 = arith.constant 0 : i32
    %dma_start3A_181 = arith.constant 0 : i32
    %dma_start3A_182 = tpu.memref_slice %arg5[%dma_start3A_180, %dma_start3A_181] : memref<100000x128xf32, #tpu.memory_space<hbm>> -> memref<100000x128xf32, #tpu.memory_space<hbm>>
    %dma_start3A_183 = tpu.memref_slice %arg14[%dma_start3A_170] : memref<4x!tpu.dma_semaphore, #tpu.memory_space<semaphore_mem>> -> memref<1x!tpu.dma_semaphore, #tpu.memory_space<semaphore_mem>>
    %dma_start3A_184 = tpu.memref_squeeze %dma_start3A_183 : memref<1x!tpu.dma_semaphore, #tpu.memory_space<semaphore_mem>> -> memref<!tpu.dma_semaphore, #tpu.memory_space<semaphore_mem>>
    tpu.enqueue_indirect_dma source(%dma_start3A_182 : memref<100000x128xf32, #tpu.memory_space<hbm>>) target(%dma_start3A_177 : memref<32x128xf32, #tpu.memory_space<vmem>>) offsets(%dma_start3A_179 : memref<32xi32, #tpu.memory_space<vmem>>) semaphore(%dma_start3A_184 : memref<!tpu.dma_semaphore, #tpu.memory_space<semaphore_mem>>)
    %add3A_185 = arith.constant 128 : i32
    %add3A_186 = arith.addi %mul3A_2, %add3A_185 : i32
    %dma_start3A_187 = arith.constant 2 : i32
    %dma_start3A_188 = arith.constant 2 : i32
    %dma_start3A_189 = arith.constant 0 : i32
    %dma_start3A_190 = arith.constant 0 : i32
    %dma_start3A_191 = tpu.memref_slice %arg11[%dma_start3A_187, %dma_start3A_189, %dma_start3A_190] : memref<4x64x128xf32, #tpu.memory_space<vmem>> -> memref<1x64x128xf32, #tpu.memory_space<vmem>>
    %dma_start3A_192 = tpu.memref_squeeze %dma_start3A_191 : memref<1x64x128xf32, #tpu.memory_space<vmem>> -> memref<64x128xf32, #tpu.memory_space<vmem>>
    %dma_start3A_193 = arith.constant 0 : i32
    %dma_start3A_194 = tpu.memref_slice %arg2[%add3A_186, %dma_start3A_193] : memref<16384x128xf32, #tpu.memory_space<hbm>> -> memref<64x128xf32, #tpu.memory_space<hbm>>
    %dma_start3A_195 = tpu.memref_slice %arg15[%dma_start3A_188] : memref<4x!tpu.dma_semaphore, #tpu.memory_space<semaphore_mem>> -> memref<1x!tpu.dma_semaphore, #tpu.memory_space<semaphore_mem>>
    %dma_start3A_196 = tpu.memref_squeeze %dma_start3A_195 : memref<1x!tpu.dma_semaphore, #tpu.memory_space<semaphore_mem>> -> memref<!tpu.dma_semaphore, #tpu.memory_space<semaphore_mem>>
    %dma_start3A_197 = arith.constant 0 : i32
    %dma_start3A_198 = arith.constant 0 : i32
    %dma_start3A_199 = tpu.memref_slice %arg11[%dma_start3A_187, %dma_start3A_197, %dma_start3A_198] : memref<4x64x128xf32, #tpu.memory_space<vmem>> -> memref<1x64x128xf32, #tpu.memory_space<vmem>>
    %dma_start3A_200 = tpu.memref_squeeze %dma_start3A_199 : memref<1x64x128xf32, #tpu.memory_space<vmem>> -> memref<64x128xf32, #tpu.memory_space<vmem>>
    %dma_start3A_201 = arith.constant 0 : i32
    %dma_start3A_202 = tpu.memref_slice %arg2[%add3A_186, %dma_start3A_201] : memref<16384x128xf32, #tpu.memory_space<hbm>> -> memref<64x128xf32, #tpu.memory_space<hbm>>
    tpu.enqueue_dma source(%dma_start3A_202 : memref<64x128xf32, #tpu.memory_space<hbm>>) target(%dma_start3A_200 : memref<64x128xf32, #tpu.memory_space<vmem>>) target_semaphore(%dma_start3A_196 : memref<!tpu.dma_semaphore, #tpu.memory_space<semaphore_mem>>)
    %dma_start3A_203 = arith.constant 2 : i32
    %dma_start3A_204 = arith.constant 2 : i32
    %dma_start3A_205 = arith.constant 0 : i32
    %dma_start3A_206 = arith.constant 0 : i32
    %dma_start3A_207 = tpu.memref_slice %arg9[%dma_start3A_203, %dma_start3A_205, %dma_start3A_206] : memref<4x64x128xf32, #tpu.memory_space<vmem>> -> memref<1x64x128xf32, #tpu.memory_space<vmem>>
    %dma_start3A_208 = tpu.memref_squeeze %dma_start3A_207 : memref<1x64x128xf32, #tpu.memory_space<vmem>> -> memref<64x128xf32, #tpu.memory_space<vmem>>
    %dma_start3A_209 = arith.constant 0 : i32
    %dma_start3A_210 = arith.constant 0 : i32
    %dma_start3A_211 = tpu.memref_slice %dma_start3A_208[%dma_start3A_209, %dma_start3A_210] : memref<64x128xf32, #tpu.memory_space<vmem>> -> memref<32x128xf32, #tpu.memory_space<vmem>>
    %dma_start3A_212 = arith.constant 128 : i32
    %dma_start3A_213 = tpu.memref_slice %arg7[%dma_start3A_212] : memref<512xi32, #tpu.memory_space<vmem>> -> memref<32xi32, #tpu.memory_space<vmem>>
    %dma_start3A_214 = arith.constant 0 : i32
    %dma_start3A_215 = arith.constant 0 : i32
    %dma_start3A_216 = tpu.memref_slice %arg5[%dma_start3A_214, %dma_start3A_215] : memref<100000x128xf32, #tpu.memory_space<hbm>> -> memref<100000x128xf32, #tpu.memory_space<hbm>>
    %dma_start3A_217 = tpu.memref_slice %arg13[%dma_start3A_204] : memref<4x!tpu.dma_semaphore, #tpu.memory_space<semaphore_mem>> -> memref<1x!tpu.dma_semaphore, #tpu.memory_space<semaphore_mem>>
    %dma_start3A_218 = tpu.memref_squeeze %dma_start3A_217 : memref<1x!tpu.dma_semaphore, #tpu.memory_space<semaphore_mem>> -> memref<!tpu.dma_semaphore, #tpu.memory_space<semaphore_mem>>
    tpu.enqueue_indirect_dma source(%dma_start3A_216 : memref<100000x128xf32, #tpu.memory_space<hbm>>) target(%dma_start3A_211 : memref<32x128xf32, #tpu.memory_space<vmem>>) offsets(%dma_start3A_213 : memref<32xi32, #tpu.memory_space<vmem>>) semaphore(%dma_start3A_218 : memref<!tpu.dma_semaphore, #tpu.memory_space<semaphore_mem>>)
    %dma_start3A_219 = arith.constant 2 : i32
    %dma_start3A_220 = arith.constant 2 : i32
    %dma_start3A_221 = arith.constant 0 : i32
    %dma_start3A_222 = arith.constant 0 : i32
    %dma_start3A_223 = tpu.memref_slice %arg10[%dma_start3A_219, %dma_start3A_221, %dma_start3A_222] : memref<4x64x128xf32, #tpu.memory_space<vmem>> -> memref<1x64x128xf32, #tpu.memory_space<vmem>>
    %dma_start3A_224 = tpu.memref_squeeze %dma_start3A_223 : memref<1x64x128xf32, #tpu.memory_space<vmem>> -> memref<64x128xf32, #tpu.memory_space<vmem>>
    %dma_start3A_225 = arith.constant 0 : i32
    %dma_start3A_226 = arith.constant 0 : i32
    %dma_start3A_227 = tpu.memref_slice %dma_start3A_224[%dma_start3A_225, %dma_start3A_226] : memref<64x128xf32, #tpu.memory_space<vmem>> -> memref<32x128xf32, #tpu.memory_space<vmem>>
    %dma_start3A_228 = arith.constant 128 : i32
    %dma_start3A_229 = tpu.memref_slice %arg8[%dma_start3A_228] : memref<512xi32, #tpu.memory_space<vmem>> -> memref<32xi32, #tpu.memory_space<vmem>>
    %dma_start3A_230 = arith.constant 0 : i32
    %dma_start3A_231 = arith.constant 0 : i32
    %dma_start3A_232 = tpu.memref_slice %arg5[%dma_start3A_230, %dma_start3A_231] : memref<100000x128xf32, #tpu.memory_space<hbm>> -> memref<100000x128xf32, #tpu.memory_space<hbm>>
    %dma_start3A_233 = tpu.memref_slice %arg14[%dma_start3A_220] : memref<4x!tpu.dma_semaphore, #tpu.memory_space<semaphore_mem>> -> memref<1x!tpu.dma_semaphore, #tpu.memory_space<semaphore_mem>>
    %dma_start3A_234 = tpu.memref_squeeze %dma_start3A_233 : memref<1x!tpu.dma_semaphore, #tpu.memory_space<semaphore_mem>> -> memref<!tpu.dma_semaphore, #tpu.memory_space<semaphore_mem>>
    tpu.enqueue_indirect_dma source(%dma_start3A_232 : memref<100000x128xf32, #tpu.memory_space<hbm>>) target(%dma_start3A_227 : memref<32x128xf32, #tpu.memory_space<vmem>>) offsets(%dma_start3A_229 : memref<32xi32, #tpu.memory_space<vmem>>) semaphore(%dma_start3A_234 : memref<!tpu.dma_semaphore, #tpu.memory_space<semaphore_mem>>)
    %dma_start3A_235 = arith.constant 2 : i32
    %dma_start3A_236 = arith.constant 2 : i32
    %dma_start3A_237 = arith.constant 0 : i32
    %dma_start3A_238 = arith.constant 0 : i32
    %dma_start3A_239 = tpu.memref_slice %arg9[%dma_start3A_235, %dma_start3A_237, %dma_start3A_238] : memref<4x64x128xf32, #tpu.memory_space<vmem>> -> memref<1x64x128xf32, #tpu.memory_space<vmem>>
    %dma_start3A_240 = tpu.memref_squeeze %dma_start3A_239 : memref<1x64x128xf32, #tpu.memory_space<vmem>> -> memref<64x128xf32, #tpu.memory_space<vmem>>
    %dma_start3A_241 = arith.constant 32 : i32
    %dma_start3A_242 = arith.constant 0 : i32
    %dma_start3A_243 = tpu.memref_slice %dma_start3A_240[%dma_start3A_241, %dma_start3A_242] : memref<64x128xf32, #tpu.memory_space<vmem>> -> memref<32x128xf32, #tpu.memory_space<vmem>>
    %dma_start3A_244 = arith.constant 160 : i32
    %dma_start3A_245 = tpu.memref_slice %arg7[%dma_start3A_244] : memref<512xi32, #tpu.memory_space<vmem>> -> memref<32xi32, #tpu.memory_space<vmem>>
    %dma_start3A_246 = arith.constant 0 : i32
    %dma_start3A_247 = arith.constant 0 : i32
    %dma_start3A_248 = tpu.memref_slice %arg5[%dma_start3A_246, %dma_start3A_247] : memref<100000x128xf32, #tpu.memory_space<hbm>> -> memref<100000x128xf32, #tpu.memory_space<hbm>>
    %dma_start3A_249 = tpu.memref_slice %arg13[%dma_start3A_236] : memref<4x!tpu.dma_semaphore, #tpu.memory_space<semaphore_mem>> -> memref<1x!tpu.dma_semaphore, #tpu.memory_space<semaphore_mem>>
    %dma_start3A_250 = tpu.memref_squeeze %dma_start3A_249 : memref<1x!tpu.dma_semaphore, #tpu.memory_space<semaphore_mem>> -> memref<!tpu.dma_semaphore, #tpu.memory_space<semaphore_mem>>
    tpu.enqueue_indirect_dma source(%dma_start3A_248 : memref<100000x128xf32, #tpu.memory_space<hbm>>) target(%dma_start3A_243 : memref<32x128xf32, #tpu.memory_space<vmem>>) offsets(%dma_start3A_245 : memref<32xi32, #tpu.memory_space<vmem>>) semaphore(%dma_start3A_250 : memref<!tpu.dma_semaphore, #tpu.memory_space<semaphore_mem>>)
    %dma_start3A_251 = arith.constant 2 : i32
    %dma_start3A_252 = arith.constant 2 : i32
    %dma_start3A_253 = arith.constant 0 : i32
    %dma_start3A_254 = arith.constant 0 : i32
    %dma_start3A_255 = tpu.memref_slice %arg10[%dma_start3A_251, %dma_start3A_253, %dma_start3A_254] : memref<4x64x128xf32, #tpu.memory_space<vmem>> -> memref<1x64x128xf32, #tpu.memory_space<vmem>>
    %dma_start3A_256 = tpu.memref_squeeze %dma_start3A_255 : memref<1x64x128xf32, #tpu.memory_space<vmem>> -> memref<64x128xf32, #tpu.memory_space<vmem>>
    %dma_start3A_257 = arith.constant 32 : i32
    %dma_start3A_258 = arith.constant 0 : i32
    %dma_start3A_259 = tpu.memref_slice %dma_start3A_256[%dma_start3A_257, %dma_start3A_258] : memref<64x128xf32, #tpu.memory_space<vmem>> -> memref<32x128xf32, #tpu.memory_space<vmem>>
    %dma_start3A_260 = arith.constant 160 : i32
    %dma_start3A_261 = tpu.memref_slice %arg8[%dma_start3A_260] : memref<512xi32, #tpu.memory_space<vmem>> -> memref<32xi32, #tpu.memory_space<vmem>>
    %dma_start3A_262 = arith.constant 0 : i32
    %dma_start3A_263 = arith.constant 0 : i32
    %dma_start3A_264 = tpu.memref_slice %arg5[%dma_start3A_262, %dma_start3A_263] : memref<100000x128xf32, #tpu.memory_space<hbm>> -> memref<100000x128xf32, #tpu.memory_space<hbm>>
    %dma_start3A_265 = tpu.memref_slice %arg14[%dma_start3A_252] : memref<4x!tpu.dma_semaphore, #tpu.memory_space<semaphore_mem>> -> memref<1x!tpu.dma_semaphore, #tpu.memory_space<semaphore_mem>>
    %dma_start3A_266 = tpu.memref_squeeze %dma_start3A_265 : memref<1x!tpu.dma_semaphore, #tpu.memory_space<semaphore_mem>> -> memref<!tpu.dma_semaphore, #tpu.memory_space<semaphore_mem>>
    tpu.enqueue_indirect_dma source(%dma_start3A_264 : memref<100000x128xf32, #tpu.memory_space<hbm>>) target(%dma_start3A_259 : memref<32x128xf32, #tpu.memory_space<vmem>>) offsets(%dma_start3A_261 : memref<32xi32, #tpu.memory_space<vmem>>) semaphore(%dma_start3A_266 : memref<!tpu.dma_semaphore, #tpu.memory_space<semaphore_mem>>)
    %scan3A = arith.constant 0 : i32
    %scan3A_267 = arith.constant 0 : i32
    %scan3A_268 = arith.constant 8 : i32
    %scan3A_269 = arith.addi %scan3A_267, %scan3A_268 : i32
    %scan3A_270 = arith.constant 1 : i32
    scf.for %scan3A_272 = %scan3A_267 to %scan3A_269 step %scan3A_270  : i32 {
      %add3A_273 = arith.constant 3 : i32
      %add3A_274 = arith.addi %scan3A_272, %add3A_273 : i32
      %lt3A = arith.constant 8 : i32
      %lt3A_275 = arith.cmpi slt, %add3A_274, %lt3A : i32
      %convert_element_type3A = arith.extui %lt3A_275 : i1 to i32
      %cond3A = arith.constant 0 : i32
      %cond3A_276 = arith.cmpi ne, %convert_element_type3A, %cond3A : i32
      scf.if %cond3A_276 {
        %add3A_327 = arith.constant 3 : i32
        %add3A_328 = arith.addi %scan3A_272, %add3A_327 : i32
        %add3A_329 = arith.constant 3 : i32
        %add3A_330 = arith.addi %scan3A_272, %add3A_329 : i32
        %and3A_331 = arith.constant 3 : i32
        %and3A_332 = arith.andi %add3A_330, %and3A_331 : i32
        %mul3A_333 = arith.constant 64 : i32
        %mul3A_334 = arith.muli %add3A_328, %mul3A_333 : i32
        %add3A_335 = arith.addi %mul3A_2, %mul3A_334 : i32
        %dma_start3A_336 = arith.constant 0 : i32
        %dma_start3A_337 = arith.constant 0 : i32
        %dma_start3A_338 = tpu.memref_slice %arg11[%and3A_332, %dma_start3A_336, %dma_start3A_337] : memref<4x64x128xf32, #tpu.memory_space<vmem>> -> memref<1x64x128xf32, #tpu.memory_space<vmem>>
        %dma_start3A_339 = tpu.memref_squeeze %dma_start3A_338 : memref<1x64x128xf32, #tpu.memory_space<vmem>> -> memref<64x128xf32, #tpu.memory_space<vmem>>
        %dma_start3A_340 = arith.constant 0 : i32
        %dma_start3A_341 = tpu.memref_slice %arg2[%add3A_335, %dma_start3A_340] : memref<16384x128xf32, #tpu.memory_space<hbm>> -> memref<64x128xf32, #tpu.memory_space<hbm>>
        %dma_start3A_342 = tpu.memref_slice %arg15[%and3A_332] : memref<4x!tpu.dma_semaphore, #tpu.memory_space<semaphore_mem>> -> memref<1x!tpu.dma_semaphore, #tpu.memory_space<semaphore_mem>>
        %dma_start3A_343 = tpu.memref_squeeze %dma_start3A_342 : memref<1x!tpu.dma_semaphore, #tpu.memory_space<semaphore_mem>> -> memref<!tpu.dma_semaphore, #tpu.memory_space<semaphore_mem>>
        %dma_start3A_344 = arith.constant 0 : i32
        %dma_start3A_345 = arith.constant 0 : i32
        %dma_start3A_346 = tpu.memref_slice %arg11[%and3A_332, %dma_start3A_344, %dma_start3A_345] : memref<4x64x128xf32, #tpu.memory_space<vmem>> -> memref<1x64x128xf32, #tpu.memory_space<vmem>>
        %dma_start3A_347 = tpu.memref_squeeze %dma_start3A_346 : memref<1x64x128xf32, #tpu.memory_space<vmem>> -> memref<64x128xf32, #tpu.memory_space<vmem>>
        %dma_start3A_348 = arith.constant 0 : i32
        %dma_start3A_349 = tpu.memref_slice %arg2[%add3A_335, %dma_start3A_348] : memref<16384x128xf32, #tpu.memory_space<hbm>> -> memref<64x128xf32, #tpu.memory_space<hbm>>
        tpu.enqueue_dma source(%dma_start3A_349 : memref<64x128xf32, #tpu.memory_space<hbm>>) target(%dma_start3A_347 : memref<64x128xf32, #tpu.memory_space<vmem>>) target_semaphore(%dma_start3A_343 : memref<!tpu.dma_semaphore, #tpu.memory_space<semaphore_mem>>)
        %mul3A_350 = arith.constant 64 : i32
        %mul3A_351 = arith.muli %add3A_328, %mul3A_350 : i32
        %add3A_352 = arith.constant 0 : i32
        %add3A_353 = arith.addi %mul3A_351, %add3A_352 : i32
        %dma_start3A_354 = arith.constant 0 : i32
        %dma_start3A_355 = arith.constant 0 : i32
        %dma_start3A_356 = tpu.memref_slice %arg9[%and3A_332, %dma_start3A_354, %dma_start3A_355] : memref<4x64x128xf32, #tpu.memory_space<vmem>> -> memref<1x64x128xf32, #tpu.memory_space<vmem>>
        %dma_start3A_357 = tpu.memref_squeeze %dma_start3A_356 : memref<1x64x128xf32, #tpu.memory_space<vmem>> -> memref<64x128xf32, #tpu.memory_space<vmem>>
        %dma_start3A_358 = arith.constant 0 : i32
        %dma_start3A_359 = arith.constant 0 : i32
        %dma_start3A_360 = tpu.memref_slice %dma_start3A_357[%dma_start3A_358, %dma_start3A_359] : memref<64x128xf32, #tpu.memory_space<vmem>> -> memref<32x128xf32, #tpu.memory_space<vmem>>
        %dma_start3A_361 = tpu.memref_slice %arg7[%add3A_353] : memref<512xi32, #tpu.memory_space<vmem>> -> memref<32xi32, #tpu.memory_space<vmem>>
        %dma_start3A_362 = arith.constant 0 : i32
        %dma_start3A_363 = arith.constant 0 : i32
        %dma_start3A_364 = tpu.memref_slice %arg5[%dma_start3A_362, %dma_start3A_363] : memref<100000x128xf32, #tpu.memory_space<hbm>> -> memref<100000x128xf32, #tpu.memory_space<hbm>>
        %dma_start3A_365 = tpu.memref_slice %arg13[%and3A_332] : memref<4x!tpu.dma_semaphore, #tpu.memory_space<semaphore_mem>> -> memref<1x!tpu.dma_semaphore, #tpu.memory_space<semaphore_mem>>
        %dma_start3A_366 = tpu.memref_squeeze %dma_start3A_365 : memref<1x!tpu.dma_semaphore, #tpu.memory_space<semaphore_mem>> -> memref<!tpu.dma_semaphore, #tpu.memory_space<semaphore_mem>>
        tpu.enqueue_indirect_dma source(%dma_start3A_364 : memref<100000x128xf32, #tpu.memory_space<hbm>>) target(%dma_start3A_360 : memref<32x128xf32, #tpu.memory_space<vmem>>) offsets(%dma_start3A_361 : memref<32xi32, #tpu.memory_space<vmem>>) semaphore(%dma_start3A_366 : memref<!tpu.dma_semaphore, #tpu.memory_space<semaphore_mem>>)
        %mul3A_367 = arith.constant 64 : i32
        %mul3A_368 = arith.muli %add3A_328, %mul3A_367 : i32
        %add3A_369 = arith.constant 0 : i32
        %add3A_370 = arith.addi %mul3A_368, %add3A_369 : i32
        %dma_start3A_371 = arith.constant 0 : i32
        %dma_start3A_372 = arith.constant 0 : i32
        %dma_start3A_373 = tpu.memref_slice %arg10[%and3A_332, %dma_start3A_371, %dma_start3A_372] : memref<4x64x128xf32, #tpu.memory_space<vmem>> -> memref<1x64x128xf32, #tpu.memory_space<vmem>>
        %dma_start3A_374 = tpu.memref_squeeze %dma_start3A_373 : memref<1x64x128xf32, #tpu.memory_space<vmem>> -> memref<64x128xf32, #tpu.memory_space<vmem>>
        %dma_start3A_375 = arith.constant 0 : i32
        %dma_start3A_376 = arith.constant 0 : i32
        %dma_start3A_377 = tpu.memref_slice %dma_start3A_374[%dma_start3A_375, %dma_start3A_376] : memref<64x128xf32, #tpu.memory_space<vmem>> -> memref<32x128xf32, #tpu.memory_space<vmem>>
        %dma_start3A_378 = tpu.memref_slice %arg8[%add3A_370] : memref<512xi32, #tpu.memory_space<vmem>> -> memref<32xi32, #tpu.memory_space<vmem>>
        %dma_start3A_379 = arith.constant 0 : i32
        %dma_start3A_380 = arith.constant 0 : i32
        %dma_start3A_381 = tpu.memref_slice %arg5[%dma_start3A_379, %dma_start3A_380] : memref<100000x128xf32, #tpu.memory_space<hbm>> -> memref<100000x128xf32, #tpu.memory_space<hbm>>
        %dma_start3A_382 = tpu.memref_slice %arg14[%and3A_332] : memref<4x!tpu.dma_semaphore, #tpu.memory_space<semaphore_mem>> -> memref<1x!tpu.dma_semaphore, #tpu.memory_space<semaphore_mem>>
        %dma_start3A_383 = tpu.memref_squeeze %dma_start3A_382 : memref<1x!tpu.dma_semaphore, #tpu.memory_space<semaphore_mem>> -> memref<!tpu.dma_semaphore, #tpu.memory_space<semaphore_mem>>
        tpu.enqueue_indirect_dma source(%dma_start3A_381 : memref<100000x128xf32, #tpu.memory_space<hbm>>) target(%dma_start3A_377 : memref<32x128xf32, #tpu.memory_space<vmem>>) offsets(%dma_start3A_378 : memref<32xi32, #tpu.memory_space<vmem>>) semaphore(%dma_start3A_383 : memref<!tpu.dma_semaphore, #tpu.memory_space<semaphore_mem>>)
        %mul3A_384 = arith.constant 64 : i32
        %mul3A_385 = arith.muli %add3A_328, %mul3A_384 : i32
        %add3A_386 = arith.constant 32 : i32
        %add3A_387 = arith.addi %mul3A_385, %add3A_386 : i32
        %dma_start3A_388 = arith.constant 0 : i32
        %dma_start3A_389 = arith.constant 0 : i32
        %dma_start3A_390 = tpu.memref_slice %arg9[%and3A_332, %dma_start3A_388, %dma_start3A_389] : memref<4x64x128xf32, #tpu.memory_space<vmem>> -> memref<1x64x128xf32, #tpu.memory_space<vmem>>
        %dma_start3A_391 = tpu.memref_squeeze %dma_start3A_390 : memref<1x64x128xf32, #tpu.memory_space<vmem>> -> memref<64x128xf32, #tpu.memory_space<vmem>>
        %dma_start3A_392 = arith.constant 32 : i32
        %dma_start3A_393 = arith.constant 0 : i32
        %dma_start3A_394 = tpu.memref_slice %dma_start3A_391[%dma_start3A_392, %dma_start3A_393] : memref<64x128xf32, #tpu.memory_space<vmem>> -> memref<32x128xf32, #tpu.memory_space<vmem>>
        %dma_start3A_395 = tpu.memref_slice %arg7[%add3A_387] : memref<512xi32, #tpu.memory_space<vmem>> -> memref<32xi32, #tpu.memory_space<vmem>>
        %dma_start3A_396 = arith.constant 0 : i32
        %dma_start3A_397 = arith.constant 0 : i32
        %dma_start3A_398 = tpu.memref_slice %arg5[%dma_start3A_396, %dma_start3A_397] : memref<100000x128xf32, #tpu.memory_space<hbm>> -> memref<100000x128xf32, #tpu.memory_space<hbm>>
        %dma_start3A_399 = tpu.memref_slice %arg13[%and3A_332] : memref<4x!tpu.dma_semaphore, #tpu.memory_space<semaphore_mem>> -> memref<1x!tpu.dma_semaphore, #tpu.memory_space<semaphore_mem>>
        %dma_start3A_400 = tpu.memref_squeeze %dma_start3A_399 : memref<1x!tpu.dma_semaphore, #tpu.memory_space<semaphore_mem>> -> memref<!tpu.dma_semaphore, #tpu.memory_space<semaphore_mem>>
        tpu.enqueue_indirect_dma source(%dma_start3A_398 : memref<100000x128xf32, #tpu.memory_space<hbm>>) target(%dma_start3A_394 : memref<32x128xf32, #tpu.memory_space<vmem>>) offsets(%dma_start3A_395 : memref<32xi32, #tpu.memory_space<vmem>>) semaphore(%dma_start3A_400 : memref<!tpu.dma_semaphore, #tpu.memory_space<semaphore_mem>>)
        %mul3A_401 = arith.constant 64 : i32
        %mul3A_402 = arith.muli %add3A_328, %mul3A_401 : i32
        %add3A_403 = arith.constant 32 : i32
        %add3A_404 = arith.addi %mul3A_402, %add3A_403 : i32
        %dma_start3A_405 = arith.constant 0 : i32
        %dma_start3A_406 = arith.constant 0 : i32
        %dma_start3A_407 = tpu.memref_slice %arg10[%and3A_332, %dma_start3A_405, %dma_start3A_406] : memref<4x64x128xf32, #tpu.memory_space<vmem>> -> memref<1x64x128xf32, #tpu.memory_space<vmem>>
        %dma_start3A_408 = tpu.memref_squeeze %dma_start3A_407 : memref<1x64x128xf32, #tpu.memory_space<vmem>> -> memref<64x128xf32, #tpu.memory_space<vmem>>
        %dma_start3A_409 = arith.constant 32 : i32
        %dma_start3A_410 = arith.constant 0 : i32
        %dma_start3A_411 = tpu.memref_slice %dma_start3A_408[%dma_start3A_409, %dma_start3A_410] : memref<64x128xf32, #tpu.memory_space<vmem>> -> memref<32x128xf32, #tpu.memory_space<vmem>>
        %dma_start3A_412 = tpu.memref_slice %arg8[%add3A_404] : memref<512xi32, #tpu.memory_space<vmem>> -> memref<32xi32, #tpu.memory_space<vmem>>
        %dma_start3A_413 = arith.constant 0 : i32
        %dma_start3A_414 = arith.constant 0 : i32
        %dma_start3A_415 = tpu.memref_slice %arg5[%dma_start3A_413, %dma_start3A_414] : memref<100000x128xf32, #tpu.memory_space<hbm>> -> memref<100000x128xf32, #tpu.memory_space<hbm>>
        %dma_start3A_416 = tpu.memref_slice %arg14[%and3A_332] : memref<4x!tpu.dma_semaphore, #tpu.memory_space<semaphore_mem>> -> memref<1x!tpu.dma_semaphore, #tpu.memory_space<semaphore_mem>>
        %dma_start3A_417 = tpu.memref_squeeze %dma_start3A_416 : memref<1x!tpu.dma_semaphore, #tpu.memory_space<semaphore_mem>> -> memref<!tpu.dma_semaphore, #tpu.memory_space<semaphore_mem>>
        tpu.enqueue_indirect_dma source(%dma_start3A_415 : memref<100000x128xf32, #tpu.memory_space<hbm>>) target(%dma_start3A_411 : memref<32x128xf32, #tpu.memory_space<vmem>>) offsets(%dma_start3A_412 : memref<32xi32, #tpu.memory_space<vmem>>) semaphore(%dma_start3A_417 : memref<!tpu.dma_semaphore, #tpu.memory_space<semaphore_mem>>)
      } else {
      }
      %and3A = arith.constant 3 : i32
      %and3A_277 = arith.andi %scan3A_272, %and3A : i32
      %mul3A_278 = arith.constant 64 : i32
      %mul3A_279 = arith.muli %scan3A_272, %mul3A_278 : i32
      %dma_wait3A_280 = arith.constant 0 : i32
      %dma_wait3A_281 = arith.constant 0 : i32
      %dma_wait3A_282 = tpu.memref_slice %arg9[%and3A_277, %dma_wait3A_280, %dma_wait3A_281] : memref<4x64x128xf32, #tpu.memory_space<vmem>> -> memref<1x64x128xf32, #tpu.memory_space<vmem>>
      %dma_wait3A_283 = tpu.memref_squeeze %dma_wait3A_282 : memref<1x64x128xf32, #tpu.memory_space<vmem>> -> memref<64x128xf32, #tpu.memory_space<vmem>>
      %dma_wait3A_284 = tpu.memref_slice %arg7[%mul3A_279] : memref<512xi32, #tpu.memory_space<vmem>> -> memref<64xi32, #tpu.memory_space<vmem>>
      %dma_wait3A_285 = arith.constant 0 : i32
      %dma_wait3A_286 = arith.constant 0 : i32
      %dma_wait3A_287 = tpu.memref_slice %arg5[%dma_wait3A_285, %dma_wait3A_286] : memref<100000x128xf32, #tpu.memory_space<hbm>> -> memref<100000x128xf32, #tpu.memory_space<hbm>>
      %dma_wait3A_288 = tpu.memref_slice %arg13[%and3A_277] : memref<4x!tpu.dma_semaphore, #tpu.memory_space<semaphore_mem>> -> memref<1x!tpu.dma_semaphore, #tpu.memory_space<semaphore_mem>>
      %dma_wait3A_289 = tpu.memref_squeeze %dma_wait3A_288 : memref<1x!tpu.dma_semaphore, #tpu.memory_space<semaphore_mem>> -> memref<!tpu.dma_semaphore, #tpu.memory_space<semaphore_mem>>
      tpu.wait_indirect_dma semaphore(%dma_wait3A_289 : memref<!tpu.dma_semaphore, #tpu.memory_space<semaphore_mem>>) src(%dma_wait3A_287 : memref<100000x128xf32, #tpu.memory_space<hbm>>) dst(%dma_wait3A_283 : memref<64x128xf32, #tpu.memory_space<vmem>>)
      %mul3A_290 = arith.constant 64 : i32
      %mul3A_291 = arith.muli %scan3A_272, %mul3A_290 : i32
      %dma_wait3A_292 = arith.constant 0 : i32
      %dma_wait3A_293 = arith.constant 0 : i32
      %dma_wait3A_294 = tpu.memref_slice %arg10[%and3A_277, %dma_wait3A_292, %dma_wait3A_293] : memref<4x64x128xf32, #tpu.memory_space<vmem>> -> memref<1x64x128xf32, #tpu.memory_space<vmem>>
      %dma_wait3A_295 = tpu.memref_squeeze %dma_wait3A_294 : memref<1x64x128xf32, #tpu.memory_space<vmem>> -> memref<64x128xf32, #tpu.memory_space<vmem>>
      %dma_wait3A_296 = tpu.memref_slice %arg8[%mul3A_291] : memref<512xi32, #tpu.memory_space<vmem>> -> memref<64xi32, #tpu.memory_space<vmem>>
      %dma_wait3A_297 = arith.constant 0 : i32
      %dma_wait3A_298 = arith.constant 0 : i32
      %dma_wait3A_299 = tpu.memref_slice %arg5[%dma_wait3A_297, %dma_wait3A_298] : memref<100000x128xf32, #tpu.memory_space<hbm>> -> memref<100000x128xf32, #tpu.memory_space<hbm>>
      %dma_wait3A_300 = tpu.memref_slice %arg14[%and3A_277] : memref<4x!tpu.dma_semaphore, #tpu.memory_space<semaphore_mem>> -> memref<1x!tpu.dma_semaphore, #tpu.memory_space<semaphore_mem>>
      %dma_wait3A_301 = tpu.memref_squeeze %dma_wait3A_300 : memref<1x!tpu.dma_semaphore, #tpu.memory_space<semaphore_mem>> -> memref<!tpu.dma_semaphore, #tpu.memory_space<semaphore_mem>>
      tpu.wait_indirect_dma semaphore(%dma_wait3A_301 : memref<!tpu.dma_semaphore, #tpu.memory_space<semaphore_mem>>) src(%dma_wait3A_299 : memref<100000x128xf32, #tpu.memory_space<hbm>>) dst(%dma_wait3A_295 : memref<64x128xf32, #tpu.memory_space<vmem>>)
      %mul3A_302 = arith.constant 64 : i32
      %mul3A_303 = arith.muli %scan3A_272, %mul3A_302 : i32
      %add3A_304 = arith.addi %mul3A_2, %mul3A_303 : i32
      %dma_wait3A_305 = arith.constant 0 : i32
      %dma_wait3A_306 = arith.constant 0 : i32
      %dma_wait3A_307 = tpu.memref_slice %arg11[%and3A_277, %dma_wait3A_305, %dma_wait3A_306] : memref<4x64x128xf32, #tpu.memory_space<vmem>> -> memref<1x64x128xf32, #tpu.memory_space<vmem>>
      %dma_wait3A_308 = tpu.memref_squeeze %dma_wait3A_307 : memref<1x64x128xf32, #tpu.memory_space<vmem>> -> memref<64x128xf32, #tpu.memory_space<vmem>>
      %dma_wait3A_309 = arith.constant 0 : i32
      %dma_wait3A_310 = tpu.memref_slice %arg2[%add3A_304, %dma_wait3A_309] : memref<16384x128xf32, #tpu.memory_space<hbm>> -> memref<64x128xf32, #tpu.memory_space<hbm>>
      %dma_wait3A_311 = tpu.memref_slice %arg15[%and3A_277] : memref<4x!tpu.dma_semaphore, #tpu.memory_space<semaphore_mem>> -> memref<1x!tpu.dma_semaphore, #tpu.memory_space<semaphore_mem>>
      %dma_wait3A_312 = tpu.memref_squeeze %dma_wait3A_311 : memref<1x!tpu.dma_semaphore, #tpu.memory_space<semaphore_mem>> -> memref<!tpu.dma_semaphore, #tpu.memory_space<semaphore_mem>>
      %dma_wait3A_313 = arith.constant 0 : i32
      %dma_wait3A_314 = arith.constant 0 : i32
      %dma_wait3A_315 = tpu.memref_slice %arg11[%and3A_277, %dma_wait3A_313, %dma_wait3A_314] : memref<4x64x128xf32, #tpu.memory_space<vmem>> -> memref<1x64x128xf32, #tpu.memory_space<vmem>>
      %dma_wait3A_316 = tpu.memref_squeeze %dma_wait3A_315 : memref<1x64x128xf32, #tpu.memory_space<vmem>> -> memref<64x128xf32, #tpu.memory_space<vmem>>
      %dma_wait3A_317 = arith.constant 0 : i32
      %dma_wait3A_318 = tpu.memref_slice %arg2[%add3A_304, %dma_wait3A_317] : memref<16384x128xf32, #tpu.memory_space<hbm>> -> memref<64x128xf32, #tpu.memory_space<hbm>>
      tpu.wait_dma2 semaphore(%dma_wait3A_312 : memref<!tpu.dma_semaphore, #tpu.memory_space<semaphore_mem>>) src(%dma_wait3A_318 : memref<64x128xf32, #tpu.memory_space<hbm>>) dst(%dma_wait3A_316 : memref<64x128xf32, #tpu.memory_space<vmem>>)
      %and3A_319 = arith.constant 3 : i32
      %and3A_320 = arith.andi %scan3A_272, %and3A_319 : i32
      %scan3A_321 = arith.constant 0 : i32
      %scan3A_322 = arith.constant 0 : i32
      %scan3A_323 = arith.constant 4 : i32
      %scan3A_324 = arith.addi %scan3A_322, %scan3A_323 : i32
      %scan3A_325 = arith.constant 1 : i32
      scf.for %scan3A_327 = %scan3A_322 to %scan3A_324 step %scan3A_325  : i32 {
        %broadcast_in_dim3A = arith.constant 0.000000e+00 : f32
        %broadcast_in_dim3A_328 = vector.broadcast %broadcast_in_dim3A : f32 to vector<16xf32>
        %scan3A_329 = arith.constant 0 : i32
        %scan3A_330 = arith.constant 8 : i32
        %scan3A_331 = arith.addi %scan3A_329, %scan3A_330 : i32
        %scan3A_332 = arith.constant 1 : i32
        %scan3A_333 = scf.for %scan3A_451 = %scan3A_329 to %scan3A_331 step %scan3A_332 iter_args(%scan3A_452 = %broadcast_in_dim3A_328) -> (vector<16xf32>)  : i32 {
          %mul3A_453 = arith.constant 2 : i32
          %mul3A_454 = arith.muli %scan3A_451, %mul3A_453 : i32
          %add3A_455 = arith.constant 0 : i32
          %add3A_456 = arith.addi %mul3A_454, %add3A_455 : i32
          %mul3A_457 = arith.constant 16 : i32
          %mul3A_458 = arith.muli %scan3A_327, %mul3A_457 : i32
          %add3A_459 = arith.addi %mul3A_458, %add3A_456 : i32
          %broadcast_in_dim3A_460 = arith.constant 0.000000e+00 : f32
          %broadcast_in_dim3A_461 = vector.broadcast %broadcast_in_dim3A_460 : f32 to vector<16xf32>
          %get3A = arith.index_cast %and3A_320 : i32 to index
          %get3A_462 = arith.index_cast %add3A_459 : i32 to index
          %get3A_463 = arith.constant 0 : index
          %get3A_464 = tpu.vector_load %arg9[%get3A, %get3A_462, %get3A_463] {strides = array<i32>} : memref<4x64x128xf32, #tpu.memory_space<vmem>>, vector<1x1x16xf32>,
          %get3A_465 = vector.shape_cast %get3A_464 : vector<1x1x16xf32> to vector<16xf32>
          %get3A_466 = arith.index_cast %and3A_320 : i32 to index
          %get3A_467 = arith.index_cast %add3A_459 : i32 to index
          %get3A_468 = arith.constant 0 : index
          %get3A_469 = tpu.vector_load %arg10[%get3A_466, %get3A_467, %get3A_468] {strides = array<i32>} : memref<4x64x128xf32, #tpu.memory_space<vmem>>, vector<1x1x16xf32>,
          %get3A_470 = vector.shape_cast %get3A_469 : vector<1x1x16xf32> to vector<16xf32>
          %get3A_471 = arith.index_cast %and3A_320 : i32 to index
          %get3A_472 = arith.index_cast %add3A_459 : i32 to index
          %get3A_473 = arith.constant 0 : index
          %get3A_474 = tpu.vector_load %arg11[%get3A_471, %get3A_472, %get3A_473] {strides = array<i32>} : memref<4x64x128xf32, #tpu.memory_space<vmem>>, vector<1x1x16xf32>,
          %get3A_475 = vector.shape_cast %get3A_474 : vector<1x1x16xf32> to vector<16xf32>
          %add3A_476 = arith.addf %get3A_465, %get3A_475 : vector<16xf32>
          %sub3A_477 = arith.subf %add3A_476, %get3A_470 : vector<16xf32>
          %mul3A_478 = arith.mulf %sub3A_477, %sub3A_477 : vector<16xf32>
          %add3A_479 = arith.addf %broadcast_in_dim3A_461, %mul3A_478 : vector<16xf32>
          %get3A_480 = arith.index_cast %and3A_320 : i32 to index
          %get3A_481 = arith.index_cast %add3A_459 : i32 to index
          %get3A_482 = arith.constant 16 : index
          %get3A_483 = tpu.vector_load %arg9[%get3A_480, %get3A_481, %get3A_482] {strides = array<i32>} : memref<4x64x128xf32, #tpu.memory_space<vmem>>, vector<1x1x16xf32>,
          %get3A_484 = vector.shape_cast %get3A_483 : vector<1x1x16xf32> to vector<16xf32>
          %get3A_485 = arith.index_cast %and3A_320 : i32 to index
          %get3A_486 = arith.index_cast %add3A_459 : i32 to index
          %get3A_487 = arith.constant 16 : index
          %get3A_488 = tpu.vector_load %arg10[%get3A_485, %get3A_486, %get3A_487] {strides = array<i32>} : memref<4x64x128xf32, #tpu.memory_space<vmem>>, vector<1x1x16xf32>,
          %get3A_489 = vector.shape_cast %get3A_488 : vector<1x1x16xf32> to vector<16xf32>
          %get3A_490 = arith.index_cast %and3A_320 : i32 to index
          %get3A_491 = arith.index_cast %add3A_459 : i32 to index
          %get3A_492 = arith.constant 16 : index
          %get3A_493 = tpu.vector_load %arg11[%get3A_490, %get3A_491, %get3A_492] {strides = array<i32>} : memref<4x64x128xf32, #tpu.memory_space<vmem>>, vector<1x1x16xf32>,
          %get3A_494 = vector.shape_cast %get3A_493 : vector<1x1x16xf32> to vector<16xf32>
          %add3A_495 = arith.addf %get3A_484, %get3A_494 : vector<16xf32>
          %sub3A_496 = arith.subf %add3A_495, %get3A_489 : vector<16xf32>
          %mul3A_497 = arith.mulf %sub3A_496, %sub3A_496 : vector<16xf32>
          %add3A_498 = arith.addf %add3A_479, %mul3A_497 : vector<16xf32>
          %get3A_499 = arith.index_cast %and3A_320 : i32 to index
          %get3A_500 = arith.index_cast %add3A_459 : i32 to index
          %get3A_501 = arith.constant 32 : index
          %get3A_502 = tpu.vector_load %arg9[%get3A_499, %get3A_500, %get3A_501] {strides = array<i32>} : memref<4x64x128xf32, #tpu.memory_space<vmem>>, vector<1x1x16xf32>,
          %get3A_503 = vector.shape_cast %get3A_502 : vector<1x1x16xf32> to vector<16xf32>
          %get3A_504 = arith.index_cast %and3A_320 : i32 to index
          %get3A_505 = arith.index_cast %add3A_459 : i32 to index
          %get3A_506 = arith.constant 32 : index
          %get3A_507 = tpu.vector_load %arg10[%get3A_504, %get3A_505, %get3A_506] {strides = array<i32>} : memref<4x64x128xf32, #tpu.memory_space<vmem>>, vector<1x1x16xf32>,
          %get3A_508 = vector.shape_cast %get3A_507 : vector<1x1x16xf32> to vector<16xf32>
          %get3A_509 = arith.index_cast %and3A_320 : i32 to index
          %get3A_510 = arith.index_cast %add3A_459 : i32 to index
          %get3A_511 = arith.constant 32 : index
          %get3A_512 = tpu.vector_load %arg11[%get3A_509, %get3A_510, %get3A_511] {strides = array<i32>} : memref<4x64x128xf32, #tpu.memory_space<vmem>>, vector<1x1x16xf32>,
          %get3A_513 = vector.shape_cast %get3A_512 : vector<1x1x16xf32> to vector<16xf32>
          %add3A_514 = arith.addf %get3A_503, %get3A_513 : vector<16xf32>
          %sub3A_515 = arith.subf %add3A_514, %get3A_508 : vector<16xf32>
          %mul3A_516 = arith.mulf %sub3A_515, %sub3A_515 : vector<16xf32>
          %add3A_517 = arith.addf %add3A_498, %mul3A_516 : vector<16xf32>
          %get3A_518 = arith.index_cast %and3A_320 : i32 to index
          %get3A_519 = arith.index_cast %add3A_459 : i32 to index
          %get3A_520 = arith.constant 48 : index
          %get3A_521 = tpu.vector_load %arg9[%get3A_518, %get3A_519, %get3A_520] {strides = array<i32>} : memref<4x64x128xf32, #tpu.memory_space<vmem>>, vector<1x1x16xf32>,
          %get3A_522 = vector.shape_cast %get3A_521 : vector<1x1x16xf32> to vector<16xf32>
          %get3A_523 = arith.index_cast %and3A_320 : i32 to index
          %get3A_524 = arith.index_cast %add3A_459 : i32 to index
          %get3A_525 = arith.constant 48 : index
          %get3A_526 = tpu.vector_load %arg10[%get3A_523, %get3A_524, %get3A_525] {strides = array<i32>} : memref<4x64x128xf32, #tpu.memory_space<vmem>>, vector<1x1x16xf32>,
          %get3A_527 = vector.shape_cast %get3A_526 : vector<1x1x16xf32> to vector<16xf32>
          %get3A_528 = arith.index_cast %and3A_320 : i32 to index
          %get3A_529 = arith.index_cast %add3A_459 : i32 to index
          %get3A_530 = arith.constant 48 : index
          %get3A_531 = tpu.vector_load %arg11[%get3A_528, %get3A_529, %get3A_530] {strides = array<i32>} : memref<4x64x128xf32, #tpu.memory_space<vmem>>, vector<1x1x16xf32>,
          %get3A_532 = vector.shape_cast %get3A_531 : vector<1x1x16xf32> to vector<16xf32>
          %add3A_533 = arith.addf %get3A_522, %get3A_532 : vector<16xf32>
          %sub3A_534 = arith.subf %add3A_533, %get3A_527 : vector<16xf32>
          %mul3A_535 = arith.mulf %sub3A_534, %sub3A_534 : vector<16xf32>
          %add3A_536 = arith.addf %add3A_517, %mul3A_535 : vector<16xf32>
          %get3A_537 = arith.index_cast %and3A_320 : i32 to index
          %get3A_538 = arith.index_cast %add3A_459 : i32 to index
          %get3A_539 = arith.constant 64 : index
          %get3A_540 = tpu.vector_load %arg9[%get3A_537, %get3A_538, %get3A_539] {strides = array<i32>} : memref<4x64x128xf32, #tpu.memory_space<vmem>>, vector<1x1x16xf32>,
          %get3A_541 = vector.shape_cast %get3A_540 : vector<1x1x16xf32> to vector<16xf32>
          %get3A_542 = arith.index_cast %and3A_320 : i32 to index
          %get3A_543 = arith.index_cast %add3A_459 : i32 to index
          %get3A_544 = arith.constant 64 : index
          %get3A_545 = tpu.vector_load %arg10[%get3A_542, %get3A_543, %get3A_544] {strides = array<i32>} : memref<4x64x128xf32, #tpu.memory_space<vmem>>, vector<1x1x16xf32>,
          %get3A_546 = vector.shape_cast %get3A_545 : vector<1x1x16xf32> to vector<16xf32>
          %get3A_547 = arith.index_cast %and3A_320 : i32 to index
          %get3A_548 = arith.index_cast %add3A_459 : i32 to index
          %get3A_549 = arith.constant 64 : index
          %get3A_550 = tpu.vector_load %arg11[%get3A_547, %get3A_548, %get3A_549] {strides = array<i32>} : memref<4x64x128xf32, #tpu.memory_space<vmem>>, vector<1x1x16xf32>,
          %get3A_551 = vector.shape_cast %get3A_550 : vector<1x1x16xf32> to vector<16xf32>
          %add3A_552 = arith.addf %get3A_541, %get3A_551 : vector<16xf32>
          %sub3A_553 = arith.subf %add3A_552, %get3A_546 : vector<16xf32>
          %mul3A_554 = arith.mulf %sub3A_553, %sub3A_553 : vector<16xf32>
          %add3A_555 = arith.addf %add3A_536, %mul3A_554 : vector<16xf32>
          %get3A_556 = arith.index_cast %and3A_320 : i32 to index
          %get3A_557 = arith.index_cast %add3A_459 : i32 to index
          %get3A_558 = arith.constant 80 : index
          %get3A_559 = tpu.vector_load %arg9[%get3A_556, %get3A_557, %get3A_558] {strides = array<i32>} : memref<4x64x128xf32, #tpu.memory_space<vmem>>, vector<1x1x16xf32>,
          %get3A_560 = vector.shape_cast %get3A_559 : vector<1x1x16xf32> to vector<16xf32>
          %get3A_561 = arith.index_cast %and3A_320 : i32 to index
          %get3A_562 = arith.index_cast %add3A_459 : i32 to index
          %get3A_563 = arith.constant 80 : index
          %get3A_564 = tpu.vector_load %arg10[%get3A_561, %get3A_562, %get3A_563] {strides = array<i32>} : memref<4x64x128xf32, #tpu.memory_space<vmem>>, vector<1x1x16xf32>,
          %get3A_565 = vector.shape_cast %get3A_564 : vector<1x1x16xf32> to vector<16xf32>
          %get3A_566 = arith.index_cast %and3A_320 : i32 to index
          %get3A_567 = arith.index_cast %add3A_459 : i32 to index
          %get3A_568 = arith.constant 80 : index
          %get3A_569 = tpu.vector_load %arg11[%get3A_566, %get3A_567, %get3A_568] {strides = array<i32>} : memref<4x64x128xf32, #tpu.memory_space<vmem>>, vector<1x1x16xf32>,
          %get3A_570 = vector.shape_cast %get3A_569 : vector<1x1x16xf32> to vector<16xf32>
          %add3A_571 = arith.addf %get3A_560, %get3A_570 : vector<16xf32>
          %sub3A_572 = arith.subf %add3A_571, %get3A_565 : vector<16xf32>
          %mul3A_573 = arith.mulf %sub3A_572, %sub3A_572 : vector<16xf32>
          %add3A_574 = arith.addf %add3A_555, %mul3A_573 : vector<16xf32>
          %get3A_575 = arith.index_cast %and3A_320 : i32 to index
          %get3A_576 = arith.index_cast %add3A_459 : i32 to index
          %get3A_577 = arith.constant 96 : index
          %get3A_578 = tpu.vector_load %arg9[%get3A_575, %get3A_576, %get3A_577] {strides = array<i32>} : memref<4x64x128xf32, #tpu.memory_space<vmem>>, vector<1x1x16xf32>,
          %get3A_579 = vector.shape_cast %get3A_578 : vector<1x1x16xf32> to vector<16xf32>
          %get3A_580 = arith.index_cast %and3A_320 : i32 to index
          %get3A_581 = arith.index_cast %add3A_459 : i32 to index
          %get3A_582 = arith.constant 96 : index
          %get3A_583 = tpu.vector_load %arg10[%get3A_580, %get3A_581, %get3A_582] {strides = array<i32>} : memref<4x64x128xf32, #tpu.memory_space<vmem>>, vector<1x1x16xf32>,
          %get3A_584 = vector.shape_cast %get3A_583 : vector<1x1x16xf32> to vector<16xf32>
          %get3A_585 = arith.index_cast %and3A_320 : i32 to index
          %get3A_586 = arith.index_cast %add3A_459 : i32 to index
          %get3A_587 = arith.constant 96 : index
          %get3A_588 = tpu.vector_load %arg11[%get3A_585, %get3A_586, %get3A_587] {strides = array<i32>} : memref<4x64x128xf32, #tpu.memory_space<vmem>>, vector<1x1x16xf32>,
          %get3A_589 = vector.shape_cast %get3A_588 : vector<1x1x16xf32> to vector<16xf32>
          %add3A_590 = arith.addf %get3A_579, %get3A_589 : vector<16xf32>
          %sub3A_591 = arith.subf %add3A_590, %get3A_584 : vector<16xf32>
          %mul3A_592 = arith.mulf %sub3A_591, %sub3A_591 : vector<16xf32>
          %add3A_593 = arith.addf %add3A_574, %mul3A_592 : vector<16xf32>
          %get3A_594 = arith.index_cast %and3A_320 : i32 to index
          %get3A_595 = arith.index_cast %add3A_459 : i32 to index
          %get3A_596 = arith.constant 112 : index
          %get3A_597 = tpu.vector_load %arg9[%get3A_594, %get3A_595, %get3A_596] {strides = array<i32>} : memref<4x64x128xf32, #tpu.memory_space<vmem>>, vector<1x1x16xf32>,
          %get3A_598 = vector.shape_cast %get3A_597 : vector<1x1x16xf32> to vector<16xf32>
          %get3A_599 = arith.index_cast %and3A_320 : i32 to index
          %get3A_600 = arith.index_cast %add3A_459 : i32 to index
          %get3A_601 = arith.constant 112 : index
          %get3A_602 = tpu.vector_load %arg10[%get3A_599, %get3A_600, %get3A_601] {strides = array<i32>} : memref<4x64x128xf32, #tpu.memory_space<vmem>>, vector<1x1x16xf32>,
          %get3A_603 = vector.shape_cast %get3A_602 : vector<1x1x16xf32> to vector<16xf32>
          %get3A_604 = arith.index_cast %and3A_320 : i32 to index
          %get3A_605 = arith.index_cast %add3A_459 : i32 to index
          %get3A_606 = arith.constant 112 : index
          %get3A_607 = tpu.vector_load %arg11[%get3A_604, %get3A_605, %get3A_606] {strides = array<i32>} : memref<4x64x128xf32, #tpu.memory_space<vmem>>, vector<1x1x16xf32>,
          %get3A_608 = vector.shape_cast %get3A_607 : vector<1x1x16xf32> to vector<16xf32>
          %add3A_609 = arith.addf %get3A_598, %get3A_608 : vector<16xf32>
          %sub3A_610 = arith.subf %add3A_609, %get3A_603 : vector<16xf32>
          %mul3A_611 = arith.mulf %sub3A_610, %sub3A_610 : vector<16xf32>
          %add3A_612 = arith.addf %add3A_593, %mul3A_611 : vector<16xf32>
          %xor3A = arith.constant 8 : i32
          %xor3A_613 = vector.broadcast %xor3A : i32 to vector<16xi32>
          %xor3A_614 = arith.xori %iota3A, %xor3A_613 : vector<16xi32>
          %broadcast_in_dim3A_615 = vector.shape_cast %xor3A_614 : vector<16xi32> to vector<16x1xi32>
          %gather3A = vector.shape_cast %broadcast_in_dim3A_615 : vector<16x1xi32> to vector<16xi32>
          %gather3A_616 = tpu.dynamic_gather %add3A_612[%gather3A] in [0] : vector<16xf32>, vector<16xi32> -> vector<16xf32>
          %add3A_617 = arith.addf %add3A_612, %gather3A_616 : vector<16xf32>
          %xor3A_618 = arith.constant 4 : i32
          %xor3A_619 = vector.broadcast %xor3A_618 : i32 to vector<16xi32>
          %xor3A_620 = arith.xori %iota3A, %xor3A_619 : vector<16xi32>
          %broadcast_in_dim3A_621 = vector.shape_cast %xor3A_620 : vector<16xi32> to vector<16x1xi32>
          %gather3A_622 = vector.shape_cast %broadcast_in_dim3A_621 : vector<16x1xi32> to vector<16xi32>
          %gather3A_623 = tpu.dynamic_gather %add3A_617[%gather3A_622] in [0] : vector<16xf32>, vector<16xi32> -> vector<16xf32>
          %add3A_624 = arith.addf %add3A_617, %gather3A_623 : vector<16xf32>
          %xor3A_625 = arith.constant 2 : i32
          %xor3A_626 = vector.broadcast %xor3A_625 : i32 to vector<16xi32>
          %xor3A_627 = arith.xori %iota3A, %xor3A_626 : vector<16xi32>
          %broadcast_in_dim3A_628 = vector.shape_cast %xor3A_627 : vector<16xi32> to vector<16x1xi32>
          %gather3A_629 = vector.shape_cast %broadcast_in_dim3A_628 : vector<16x1xi32> to vector<16xi32>
          %gather3A_630 = tpu.dynamic_gather %add3A_624[%gather3A_629] in [0] : vector<16xf32>, vector<16xi32> -> vector<16xf32>
          %add3A_631 = arith.addf %add3A_624, %gather3A_630 : vector<16xf32>
          %xor3A_632 = arith.constant 1 : i32
          %xor3A_633 = vector.broadcast %xor3A_632 : i32 to vector<16xi32>
          %xor3A_634 = arith.xori %iota3A, %xor3A_633 : vector<16xi32>
          %broadcast_in_dim3A_635 = vector.shape_cast %xor3A_634 : vector<16xi32> to vector<16x1xi32>
          %gather3A_636 = vector.shape_cast %broadcast_in_dim3A_635 : vector<16x1xi32> to vector<16xi32>
          %gather3A_637 = tpu.dynamic_gather %add3A_631[%gather3A_636] in [0] : vector<16xf32>, vector<16xi32> -> vector<16xf32>
          %add3A_638 = arith.addf %add3A_631, %gather3A_637 : vector<16xf32>
          %eq3A = vector.broadcast %add3A_456 : i32 to vector<16xi32>
          %eq3A_639 = arith.cmpi eq, %iota3A, %eq3A : vector<16xi32>
          %select_n3A_640 = arith.select %eq3A_639, %add3A_638, %scan3A_452 : vector<16xi1>, vector<16xf32>
          %mul3A_641 = arith.constant 2 : i32
          %mul3A_642 = arith.muli %scan3A_451, %mul3A_641 : i32
          %add3A_643 = arith.constant 1 : i32
          %add3A_644 = arith.addi %mul3A_642, %add3A_643 : i32
          %mul3A_645 = arith.constant 16 : i32
          %mul3A_646 = arith.muli %scan3A_327, %mul3A_645 : i32
          %add3A_647 = arith.addi %mul3A_646, %add3A_644 : i32
          %broadcast_in_dim3A_648 = arith.constant 0.000000e+00 : f32
          %broadcast_in_dim3A_649 = vector.broadcast %broadcast_in_dim3A_648 : f32 to vector<16xf32>
          %get3A_650 = arith.index_cast %and3A_320 : i32 to index
          %get3A_651 = arith.index_cast %add3A_647 : i32 to index
          %get3A_652 = arith.constant 0 : index
          %get3A_653 = tpu.vector_load %arg9[%get3A_650, %get3A_651, %get3A_652] {strides = array<i32>} : memref<4x64x128xf32, #tpu.memory_space<vmem>>, vector<1x1x16xf32>,
          %get3A_654 = vector.shape_cast %get3A_653 : vector<1x1x16xf32> to vector<16xf32>
          %get3A_655 = arith.index_cast %and3A_320 : i32 to index
          %get3A_656 = arith.index_cast %add3A_647 : i32 to index
          %get3A_657 = arith.constant 0 : index
          %get3A_658 = tpu.vector_load %arg10[%get3A_655, %get3A_656, %get3A_657] {strides = array<i32>} : memref<4x64x128xf32, #tpu.memory_space<vmem>>, vector<1x1x16xf32>,
          %get3A_659 = vector.shape_cast %get3A_658 : vector<1x1x16xf32> to vector<16xf32>
          %get3A_660 = arith.index_cast %and3A_320 : i32 to index
          %get3A_661 = arith.index_cast %add3A_647 : i32 to index
          %get3A_662 = arith.constant 0 : index
          %get3A_663 = tpu.vector_load %arg11[%get3A_660, %get3A_661, %get3A_662] {strides = array<i32>} : memref<4x64x128xf32, #tpu.memory_space<vmem>>, vector<1x1x16xf32>,
          %get3A_664 = vector.shape_cast %get3A_663 : vector<1x1x16xf32> to vector<16xf32>
          %add3A_665 = arith.addf %get3A_654, %get3A_664 : vector<16xf32>
          %sub3A_666 = arith.subf %add3A_665, %get3A_659 : vector<16xf32>
          %mul3A_667 = arith.mulf %sub3A_666, %sub3A_666 : vector<16xf32>
          %add3A_668 = arith.addf %broadcast_in_dim3A_649, %mul3A_667 : vector<16xf32>
          %get3A_669 = arith.index_cast %and3A_320 : i32 to index
          %get3A_670 = arith.index_cast %add3A_647 : i32 to index
          %get3A_671 = arith.constant 16 : index
          %get3A_672 = tpu.vector_load %arg9[%get3A_669, %get3A_670, %get3A_671] {strides = array<i32>} : memref<4x64x128xf32, #tpu.memory_space<vmem>>, vector<1x1x16xf32>,
          %get3A_673 = vector.shape_cast %get3A_672 : vector<1x1x16xf32> to vector<16xf32>
          %get3A_674 = arith.index_cast %and3A_320 : i32 to index
          %get3A_675 = arith.index_cast %add3A_647 : i32 to index
          %get3A_676 = arith.constant 16 : index
          %get3A_677 = tpu.vector_load %arg10[%get3A_674, %get3A_675, %get3A_676] {strides = array<i32>} : memref<4x64x128xf32, #tpu.memory_space<vmem>>, vector<1x1x16xf32>,
          %get3A_678 = vector.shape_cast %get3A_677 : vector<1x1x16xf32> to vector<16xf32>
          %get3A_679 = arith.index_cast %and3A_320 : i32 to index
          %get3A_680 = arith.index_cast %add3A_647 : i32 to index
          %get3A_681 = arith.constant 16 : index
          %get3A_682 = tpu.vector_load %arg11[%get3A_679, %get3A_680, %get3A_681] {strides = array<i32>} : memref<4x64x128xf32, #tpu.memory_space<vmem>>, vector<1x1x16xf32>,
          %get3A_683 = vector.shape_cast %get3A_682 : vector<1x1x16xf32> to vector<16xf32>
          %add3A_684 = arith.addf %get3A_673, %get3A_683 : vector<16xf32>
          %sub3A_685 = arith.subf %add3A_684, %get3A_678 : vector<16xf32>
          %mul3A_686 = arith.mulf %sub3A_685, %sub3A_685 : vector<16xf32>
          %add3A_687 = arith.addf %add3A_668, %mul3A_686 : vector<16xf32>
          %get3A_688 = arith.index_cast %and3A_320 : i32 to index
          %get3A_689 = arith.index_cast %add3A_647 : i32 to index
          %get3A_690 = arith.constant 32 : index
          %get3A_691 = tpu.vector_load %arg9[%get3A_688, %get3A_689, %get3A_690] {strides = array<i32>} : memref<4x64x128xf32, #tpu.memory_space<vmem>>, vector<1x1x16xf32>,
          %get3A_692 = vector.shape_cast %get3A_691 : vector<1x1x16xf32> to vector<16xf32>
          %get3A_693 = arith.index_cast %and3A_320 : i32 to index
          %get3A_694 = arith.index_cast %add3A_647 : i32 to index
          %get3A_695 = arith.constant 32 : index
          %get3A_696 = tpu.vector_load %arg10[%get3A_693, %get3A_694, %get3A_695] {strides = array<i32>} : memref<4x64x128xf32, #tpu.memory_space<vmem>>, vector<1x1x16xf32>,
          %get3A_697 = vector.shape_cast %get3A_696 : vector<1x1x16xf32> to vector<16xf32>
          %get3A_698 = arith.index_cast %and3A_320 : i32 to index
          %get3A_699 = arith.index_cast %add3A_647 : i32 to index
          %get3A_700 = arith.constant 32 : index
          %get3A_701 = tpu.vector_load %arg11[%get3A_698, %get3A_699, %get3A_700] {strides = array<i32>} : memref<4x64x128xf32, #tpu.memory_space<vmem>>, vector<1x1x16xf32>,
          %get3A_702 = vector.shape_cast %get3A_701 : vector<1x1x16xf32> to vector<16xf32>
          %add3A_703 = arith.addf %get3A_692, %get3A_702 : vector<16xf32>
          %sub3A_704 = arith.subf %add3A_703, %get3A_697 : vector<16xf32>
          %mul3A_705 = arith.mulf %sub3A_704, %sub3A_704 : vector<16xf32>
          %add3A_706 = arith.addf %add3A_687, %mul3A_705 : vector<16xf32>
          %get3A_707 = arith.index_cast %and3A_320 : i32 to index
          %get3A_708 = arith.index_cast %add3A_647 : i32 to index
          %get3A_709 = arith.constant 48 : index
          %get3A_710 = tpu.vector_load %arg9[%get3A_707, %get3A_708, %get3A_709] {strides = array<i32>} : memref<4x64x128xf32, #tpu.memory_space<vmem>>, vector<1x1x16xf32>,
          %get3A_711 = vector.shape_cast %get3A_710 : vector<1x1x16xf32> to vector<16xf32>
          %get3A_712 = arith.index_cast %and3A_320 : i32 to index
          %get3A_713 = arith.index_cast %add3A_647 : i32 to index
          %get3A_714 = arith.constant 48 : index
          %get3A_715 = tpu.vector_load %arg10[%get3A_712, %get3A_713, %get3A_714] {strides = array<i32>} : memref<4x64x128xf32, #tpu.memory_space<vmem>>, vector<1x1x16xf32>,
          %get3A_716 = vector.shape_cast %get3A_715 : vector<1x1x16xf32> to vector<16xf32>
          %get3A_717 = arith.index_cast %and3A_320 : i32 to index
          %get3A_718 = arith.index_cast %add3A_647 : i32 to index
          %get3A_719 = arith.constant 48 : index
          %get3A_720 = tpu.vector_load %arg11[%get3A_717, %get3A_718, %get3A_719] {strides = array<i32>} : memref<4x64x128xf32, #tpu.memory_space<vmem>>, vector<1x1x16xf32>,
          %get3A_721 = vector.shape_cast %get3A_720 : vector<1x1x16xf32> to vector<16xf32>
          %add3A_722 = arith.addf %get3A_711, %get3A_721 : vector<16xf32>
          %sub3A_723 = arith.subf %add3A_722, %get3A_716 : vector<16xf32>
          %mul3A_724 = arith.mulf %sub3A_723, %sub3A_723 : vector<16xf32>
          %add3A_725 = arith.addf %add3A_706, %mul3A_724 : vector<16xf32>
          %get3A_726 = arith.index_cast %and3A_320 : i32 to index
          %get3A_727 = arith.index_cast %add3A_647 : i32 to index
          %get3A_728 = arith.constant 64 : index
          %get3A_729 = tpu.vector_load %arg9[%get3A_726, %get3A_727, %get3A_728] {strides = array<i32>} : memref<4x64x128xf32, #tpu.memory_space<vmem>>, vector<1x1x16xf32>,
          %get3A_730 = vector.shape_cast %get3A_729 : vector<1x1x16xf32> to vector<16xf32>
          %get3A_731 = arith.index_cast %and3A_320 : i32 to index
          %get3A_732 = arith.index_cast %add3A_647 : i32 to index
          %get3A_733 = arith.constant 64 : index
          %get3A_734 = tpu.vector_load %arg10[%get3A_731, %get3A_732, %get3A_733] {strides = array<i32>} : memref<4x64x128xf32, #tpu.memory_space<vmem>>, vector<1x1x16xf32>,
          %get3A_735 = vector.shape_cast %get3A_734 : vector<1x1x16xf32> to vector<16xf32>
          %get3A_736 = arith.index_cast %and3A_320 : i32 to index
          %get3A_737 = arith.index_cast %add3A_647 : i32 to index
          %get3A_738 = arith.constant 64 : index
          %get3A_739 = tpu.vector_load %arg11[%get3A_736, %get3A_737, %get3A_738] {strides = array<i32>} : memref<4x64x128xf32, #tpu.memory_space<vmem>>, vector<1x1x16xf32>,
          %get3A_740 = vector.shape_cast %get3A_739 : vector<1x1x16xf32> to vector<16xf32>
          %add3A_741 = arith.addf %get3A_730, %get3A_740 : vector<16xf32>
          %sub3A_742 = arith.subf %add3A_741, %get3A_735 : vector<16xf32>
          %mul3A_743 = arith.mulf %sub3A_742, %sub3A_742 : vector<16xf32>
          %add3A_744 = arith.addf %add3A_725, %mul3A_743 : vector<16xf32>
          %get3A_745 = arith.index_cast %and3A_320 : i32 to index
          %get3A_746 = arith.index_cast %add3A_647 : i32 to index
          %get3A_747 = arith.constant 80 : index
          %get3A_748 = tpu.vector_load %arg9[%get3A_745, %get3A_746, %get3A_747] {strides = array<i32>} : memref<4x64x128xf32, #tpu.memory_space<vmem>>, vector<1x1x16xf32>,
          %get3A_749 = vector.shape_cast %get3A_748 : vector<1x1x16xf32> to vector<16xf32>
          %get3A_750 = arith.index_cast %and3A_320 : i32 to index
          %get3A_751 = arith.index_cast %add3A_647 : i32 to index
          %get3A_752 = arith.constant 80 : index
          %get3A_753 = tpu.vector_load %arg10[%get3A_750, %get3A_751, %get3A_752] {strides = array<i32>} : memref<4x64x128xf32, #tpu.memory_space<vmem>>, vector<1x1x16xf32>,
          %get3A_754 = vector.shape_cast %get3A_753 : vector<1x1x16xf32> to vector<16xf32>
          %get3A_755 = arith.index_cast %and3A_320 : i32 to index
          %get3A_756 = arith.index_cast %add3A_647 : i32 to index
          %get3A_757 = arith.constant 80 : index
          %get3A_758 = tpu.vector_load %arg11[%get3A_755, %get3A_756, %get3A_757] {strides = array<i32>} : memref<4x64x128xf32, #tpu.memory_space<vmem>>, vector<1x1x16xf32>,
          %get3A_759 = vector.shape_cast %get3A_758 : vector<1x1x16xf32> to vector<16xf32>
          %add3A_760 = arith.addf %get3A_749, %get3A_759 : vector<16xf32>
          %sub3A_761 = arith.subf %add3A_760, %get3A_754 : vector<16xf32>
          %mul3A_762 = arith.mulf %sub3A_761, %sub3A_761 : vector<16xf32>
          %add3A_763 = arith.addf %add3A_744, %mul3A_762 : vector<16xf32>
          %get3A_764 = arith.index_cast %and3A_320 : i32 to index
          %get3A_765 = arith.index_cast %add3A_647 : i32 to index
          %get3A_766 = arith.constant 96 : index
          %get3A_767 = tpu.vector_load %arg9[%get3A_764, %get3A_765, %get3A_766] {strides = array<i32>} : memref<4x64x128xf32, #tpu.memory_space<vmem>>, vector<1x1x16xf32>,
          %get3A_768 = vector.shape_cast %get3A_767 : vector<1x1x16xf32> to vector<16xf32>
          %get3A_769 = arith.index_cast %and3A_320 : i32 to index
          %get3A_770 = arith.index_cast %add3A_647 : i32 to index
          %get3A_771 = arith.constant 96 : index
          %get3A_772 = tpu.vector_load %arg10[%get3A_769, %get3A_770, %get3A_771] {strides = array<i32>} : memref<4x64x128xf32, #tpu.memory_space<vmem>>, vector<1x1x16xf32>,
          %get3A_773 = vector.shape_cast %get3A_772 : vector<1x1x16xf32> to vector<16xf32>
          %get3A_774 = arith.index_cast %and3A_320 : i32 to index
          %get3A_775 = arith.index_cast %add3A_647 : i32 to index
          %get3A_776 = arith.constant 96 : index
          %get3A_777 = tpu.vector_load %arg11[%get3A_774, %get3A_775, %get3A_776] {strides = array<i32>} : memref<4x64x128xf32, #tpu.memory_space<vmem>>, vector<1x1x16xf32>,
          %get3A_778 = vector.shape_cast %get3A_777 : vector<1x1x16xf32> to vector<16xf32>
          %add3A_779 = arith.addf %get3A_768, %get3A_778 : vector<16xf32>
          %sub3A_780 = arith.subf %add3A_779, %get3A_773 : vector<16xf32>
          %mul3A_781 = arith.mulf %sub3A_780, %sub3A_780 : vector<16xf32>
          %add3A_782 = arith.addf %add3A_763, %mul3A_781 : vector<16xf32>
          %get3A_783 = arith.index_cast %and3A_320 : i32 to index
          %get3A_784 = arith.index_cast %add3A_647 : i32 to index
          %get3A_785 = arith.constant 112 : index
          %get3A_786 = tpu.vector_load %arg9[%get3A_783, %get3A_784, %get3A_785] {strides = array<i32>} : memref<4x64x128xf32, #tpu.memory_space<vmem>>, vector<1x1x16xf32>,
          %get3A_787 = vector.shape_cast %get3A_786 : vector<1x1x16xf32> to vector<16xf32>
          %get3A_788 = arith.index_cast %and3A_320 : i32 to index
          %get3A_789 = arith.index_cast %add3A_647 : i32 to index
          %get3A_790 = arith.constant 112 : index
          %get3A_791 = tpu.vector_load %arg10[%get3A_788, %get3A_789, %get3A_790] {strides = array<i32>} : memref<4x64x128xf32, #tpu.memory_space<vmem>>, vector<1x1x16xf32>,
          %get3A_792 = vector.shape_cast %get3A_791 : vector<1x1x16xf32> to vector<16xf32>
          %get3A_793 = arith.index_cast %and3A_320 : i32 to index
          %get3A_794 = arith.index_cast %add3A_647 : i32 to index
          %get3A_795 = arith.constant 112 : index
          %get3A_796 = tpu.vector_load %arg11[%get3A_793, %get3A_794, %get3A_795] {strides = array<i32>} : memref<4x64x128xf32, #tpu.memory_space<vmem>>, vector<1x1x16xf32>,
          %get3A_797 = vector.shape_cast %get3A_796 : vector<1x1x16xf32> to vector<16xf32>
          %add3A_798 = arith.addf %get3A_787, %get3A_797 : vector<16xf32>
          %sub3A_799 = arith.subf %add3A_798, %get3A_792 : vector<16xf32>
          %mul3A_800 = arith.mulf %sub3A_799, %sub3A_799 : vector<16xf32>
          %add3A_801 = arith.addf %add3A_782, %mul3A_800 : vector<16xf32>
          %xor3A_802 = arith.constant 8 : i32
          %xor3A_803 = vector.broadcast %xor3A_802 : i32 to vector<16xi32>
          %xor3A_804 = arith.xori %iota3A, %xor3A_803 : vector<16xi32>
          %broadcast_in_dim3A_805 = vector.shape_cast %xor3A_804 : vector<16xi32> to vector<16x1xi32>
          %gather3A_806 = vector.shape_cast %broadcast_in_dim3A_805 : vector<16x1xi32> to vector<16xi32>
          %gather3A_807 = tpu.dynamic_gather %add3A_801[%gather3A_806] in [0] : vector<16xf32>, vector<16xi32> -> vector<16xf32>
          %add3A_808 = arith.addf %add3A_801, %gather3A_807 : vector<16xf32>
          %xor3A_809 = arith.constant 4 : i32
          %xor3A_810 = vector.broadcast %xor3A_809 : i32 to vector<16xi32>
          %xor3A_811 = arith.xori %iota3A, %xor3A_810 : vector<16xi32>
          %broadcast_in_dim3A_812 = vector.shape_cast %xor3A_811 : vector<16xi32> to vector<16x1xi32>
          %gather3A_813 = vector.shape_cast %broadcast_in_dim3A_812 : vector<16x1xi32> to vector<16xi32>
          %gather3A_814 = tpu.dynamic_gather %add3A_808[%gather3A_813] in [0] : vector<16xf32>, vector<16xi32> -> vector<16xf32>
          %add3A_815 = arith.addf %add3A_808, %gather3A_814 : vector<16xf32>
          %xor3A_816 = arith.constant 2 : i32
          %xor3A_817 = vector.broadcast %xor3A_816 : i32 to vector<16xi32>
          %xor3A_818 = arith.xori %iota3A, %xor3A_817 : vector<16xi32>
          %broadcast_in_dim3A_819 = vector.shape_cast %xor3A_818 : vector<16xi32> to vector<16x1xi32>
          %gather3A_820 = vector.shape_cast %broadcast_in_dim3A_819 : vector<16x1xi32> to vector<16xi32>
          %gather3A_821 = tpu.dynamic_gather %add3A_815[%gather3A_820] in [0] : vector<16xf32>, vector<16xi32> -> vector<16xf32>
          %add3A_822 = arith.addf %add3A_815, %gather3A_821 : vector<16xf32>
          %xor3A_823 = arith.constant 1 : i32
          %xor3A_824 = vector.broadcast %xor3A_823 : i32 to vector<16xi32>
          %xor3A_825 = arith.xori %iota3A, %xor3A_824 : vector<16xi32>
          %broadcast_in_dim3A_826 = vector.shape_cast %xor3A_825 : vector<16xi32> to vector<16x1xi32>
          %gather3A_827 = vector.shape_cast %broadcast_in_dim3A_826 : vector<16x1xi32> to vector<16xi32>
          %gather3A_828 = tpu.dynamic_gather %add3A_822[%gather3A_827] in [0] : vector<16xf32>, vector<16xi32> -> vector<16xf32>
          %add3A_829 = arith.addf %add3A_822, %gather3A_828 : vector<16xf32>
          %eq3A_830 = vector.broadcast %add3A_644 : i32 to vector<16xi32>
          %eq3A_831 = arith.cmpi eq, %iota3A, %eq3A_830 : vector<16xi32>
          %select_n3A_832 = arith.select %eq3A_831, %add3A_829, %select_n3A_640 : vector<16xi1>, vector<16xf32>
          scf.yield %select_n3A_832 : vector<16xf32>
        }
        %scan3A_334 = arith.constant 8 : i32
        %jit3A = arith.constant 5.96046448E-8 : f32
        %jit3A_335 = arith.constant 1.09951163E+12 : f32
        %max3A = vector.broadcast %jit3A : f32 to vector<16xf32>
        %max3A_336 = arith.maximumf %max3A, %scan3A_333 : vector<16xf32>
        %min3A = vector.broadcast %jit3A_335 : f32 to vector<16xf32>
        %min3A_337 = arith.minimumf %min3A, %max3A_336 : vector<16xf32>
        %mul3A_338 = arith.constant 0x4B800000 : f32
        %mul3A_339 = vector.broadcast %mul3A_338 : f32 to vector<16xf32>
        %mul3A_340 = arith.mulf %min3A_337, %mul3A_339 : vector<16xf32>
        %broadcast_in_dim3A_341 = arith.constant 4.096000e+03 : f32
        %broadcast_in_dim3A_342 = vector.broadcast %broadcast_in_dim3A_341 : f32 to vector<16xf32>
        %ge3A = arith.constant 4.2949673E+9 : f32
        %ge3A_343 = vector.broadcast %ge3A : f32 to vector<16xf32>
        %ge3A_344 = arith.cmpf oge, %mul3A_340, %ge3A_343 : vector<16xf32>
        %mul3A_345 = arith.constant 2.32830644E-10 : f32
        %mul3A_346 = vector.broadcast %mul3A_345 : f32 to vector<16xf32>
        %mul3A_347 = arith.mulf %mul3A_340, %mul3A_346 : vector<16xf32>
        %select_n3A = arith.select %ge3A_344, %mul3A_347, %mul3A_340 : vector<16xi1>, vector<16xf32>
        %mul3A_348 = arith.constant 1.52587891E-5 : f32
        %mul3A_349 = vector.broadcast %mul3A_348 : f32 to vector<16xf32>
        %mul3A_350 = arith.mulf %broadcast_in_dim3A_342, %mul3A_349 : vector<16xf32>
        %select_n3A_351 = arith.select %ge3A_344, %mul3A_350, %broadcast_in_dim3A_342 : vector<16xi1>, vector<16xf32>
        %ge3A_352 = arith.constant 6.553600e+04 : f32
        %ge3A_353 = vector.broadcast %ge3A_352 : f32 to vector<16xf32>
        %ge3A_354 = arith.cmpf oge, %select_n3A, %ge3A_353 : vector<16xf32>
        %mul3A_355 = arith.constant 1.52587891E-5 : f32
        %mul3A_356 = vector.broadcast %mul3A_355 : f32 to vector<16xf32>
        %mul3A_357 = arith.mulf %select_n3A, %mul3A_356 : vector<16xf32>
        %select_n3A_358 = arith.select %ge3A_354, %mul3A_357, %select_n3A : vector<16xi1>, vector<16xf32>
        %mul3A_359 = arith.constant 3.906250e-03 : f32
        %mul3A_360 = vector.broadcast %mul3A_359 : f32 to vector<16xf32>
        %mul3A_361 = arith.mulf %select_n3A_351, %mul3A_360 : vector<16xf32>
        %select_n3A_362 = arith.select %ge3A_354, %mul3A_361, %select_n3A_351 : vector<16xi1>, vector<16xf32>
        %ge3A_363 = arith.constant 2.560000e+02 : f32
        %ge3A_364 = vector.broadcast %ge3A_363 : f32 to vector<16xf32>
        %ge3A_365 = arith.cmpf oge, %select_n3A_358, %ge3A_364 : vector<16xf32>
        %mul3A_366 = arith.constant 3.906250e-03 : f32
        %mul3A_367 = vector.broadcast %mul3A_366 : f32 to vector<16xf32>
        %mul3A_368 = arith.mulf %select_n3A_358, %mul3A_367 : vector<16xf32>
        %select_n3A_369 = arith.select %ge3A_365, %mul3A_368, %select_n3A_358 : vector<16xi1>, vector<16xf32>
        %mul3A_370 = arith.constant 6.250000e-02 : f32
        %mul3A_371 = vector.broadcast %mul3A_370 : f32 to vector<16xf32>
        %mul3A_372 = arith.mulf %select_n3A_362, %mul3A_371 : vector<16xf32>
        %select_n3A_373 = arith.select %ge3A_365, %mul3A_372, %select_n3A_362 : vector<16xi1>, vector<16xf32>
        %ge3A_374 = arith.constant 1.600000e+01 : f32
        %ge3A_375 = vector.broadcast %ge3A_374 : f32 to vector<16xf32>
        %ge3A_376 = arith.cmpf oge, %select_n3A_369, %ge3A_375 : vector<16xf32>
        %mul3A_377 = arith.constant 6.250000e-02 : f32
        %mul3A_378 = vector.broadcast %mul3A_377 : f32 to vector<16xf32>
        %mul3A_379 = arith.mulf %select_n3A_369, %mul3A_378 : vector<16xf32>
        %select_n3A_380 = arith.select %ge3A_376, %mul3A_379, %select_n3A_369 : vector<16xi1>, vector<16xf32>
        %mul3A_381 = arith.constant 2.500000e-01 : f32
        %mul3A_382 = vector.broadcast %mul3A_381 : f32 to vector<16xf32>
        %mul3A_383 = arith.mulf %select_n3A_373, %mul3A_382 : vector<16xf32>
        %select_n3A_384 = arith.select %ge3A_376, %mul3A_383, %select_n3A_373 : vector<16xi1>, vector<16xf32>
        %ge3A_385 = arith.constant 4.000000e+00 : f32
        %ge3A_386 = vector.broadcast %ge3A_385 : f32 to vector<16xf32>
        %ge3A_387 = arith.cmpf oge, %select_n3A_380, %ge3A_386 : vector<16xf32>
        %mul3A_388 = arith.constant 2.500000e-01 : f32
        %mul3A_389 = vector.broadcast %mul3A_388 : f32 to vector<16xf32>
        %mul3A_390 = arith.mulf %select_n3A_380, %mul3A_389 : vector<16xf32>
        %select_n3A_391 = arith.select %ge3A_387, %mul3A_390, %select_n3A_380 : vector<16xi1>, vector<16xf32>
        %mul3A_392 = arith.constant 5.000000e-01 : f32
        %mul3A_393 = vector.broadcast %mul3A_392 : f32 to vector<16xf32>
        %mul3A_394 = arith.mulf %select_n3A_384, %mul3A_393 : vector<16xf32>
        %select_n3A_395 = arith.select %ge3A_387, %mul3A_394, %select_n3A_384 : vector<16xi1>, vector<16xf32>
        %ge3A_396 = arith.constant 2.000000e+00 : f32
        %ge3A_397 = vector.broadcast %ge3A_396 : f32 to vector<16xf32>
        %ge3A_398 = arith.cmpf oge, %select_n3A_391, %ge3A_397 : vector<16xf32>
        %mul3A_399 = arith.constant 5.000000e-01 : f32
        %mul3A_400 = vector.broadcast %mul3A_399 : f32 to vector<16xf32>
        %mul3A_401 = arith.mulf %select_n3A_391, %mul3A_400 : vector<16xf32>
        %select_n3A_402 = arith.select %ge3A_398, %mul3A_401, %select_n3A_391 : vector<16xi1>, vector<16xf32>
        %mul3A_403 = arith.constant 0.707106769 : f32
        %mul3A_404 = vector.broadcast %mul3A_403 : f32 to vector<16xf32>
        %mul3A_405 = arith.mulf %select_n3A_395, %mul3A_404 : vector<16xf32>
        %select_n3A_406 = arith.select %ge3A_398, %mul3A_405, %select_n3A_395 : vector<16xi1>, vector<16xf32>
        %mul3A_407 = arith.constant 2.929000e-01 : f32
        %mul3A_408 = vector.broadcast %mul3A_407 : f32 to vector<16xf32>
        %mul3A_409 = arith.mulf %mul3A_408, %select_n3A_402 : vector<16xf32>
        %sub3A = arith.constant 1.298900e+00 : f32
        %sub3A_410 = vector.broadcast %sub3A : f32 to vector<16xf32>
        %sub3A_411 = arith.subf %sub3A_410, %mul3A_409 : vector<16xf32>
        %mul3A_412 = arith.mulf %select_n3A_406, %sub3A_411 : vector<16xf32>
        %mul3A_413 = arith.constant 5.000000e-01 : f32
        %mul3A_414 = vector.broadcast %mul3A_413 : f32 to vector<16xf32>
        %mul3A_415 = arith.mulf %mul3A_414, %min3A_337 : vector<16xf32>
        %mul3A_416 = arith.mulf %mul3A_415, %mul3A_412 : vector<16xf32>
        %mul3A_417 = arith.mulf %mul3A_416, %mul3A_412 : vector<16xf32>
        %sub3A_418 = arith.constant 1.500000e+00 : f32
        %sub3A_419 = vector.broadcast %sub3A_418 : f32 to vector<16xf32>
        %sub3A_420 = arith.subf %sub3A_419, %mul3A_417 : vector<16xf32>
        %mul3A_421 = arith.mulf %mul3A_412, %sub3A_420 : vector<16xf32>
        %mul3A_422 = arith.constant 5.000000e-01 : f32
        %mul3A_423 = vector.broadcast %mul3A_422 : f32 to vector<16xf32>
        %mul3A_424 = arith.mulf %mul3A_423, %min3A_337 : vector<16xf32>
        %mul3A_425 = arith.mulf %mul3A_424, %mul3A_421 : vector<16xf32>
        %mul3A_426 = arith.mulf %mul3A_425, %mul3A_421 : vector<16xf32>
        %sub3A_427 = arith.constant 1.500000e+00 : f32
        %sub3A_428 = vector.broadcast %sub3A_427 : f32 to vector<16xf32>
        %sub3A_429 = arith.subf %sub3A_428, %mul3A_426 : vector<16xf32>
        %mul3A_430 = arith.mulf %mul3A_421, %sub3A_429 : vector<16xf32>
        %mul3A_431 = arith.constant 5.000000e-01 : f32
        %mul3A_432 = vector.broadcast %mul3A_431 : f32 to vector<16xf32>
        %mul3A_433 = arith.mulf %mul3A_432, %min3A_337 : vector<16xf32>
        %mul3A_434 = arith.mulf %mul3A_433, %mul3A_430 : vector<16xf32>
        %mul3A_435 = arith.mulf %mul3A_434, %mul3A_430 : vector<16xf32>
        %sub3A_436 = arith.constant 1.500000e+00 : f32
        %sub3A_437 = vector.broadcast %sub3A_436 : f32 to vector<16xf32>
        %sub3A_438 = arith.subf %sub3A_437, %mul3A_435 : vector<16xf32>
        %mul3A_439 = arith.mulf %mul3A_430, %sub3A_438 : vector<16xf32>
        %mul3A_440 = arith.mulf %min3A_337, %mul3A_439 : vector<16xf32>
        %neg3A = arith.constant 0.000000e+00 : f32
        %neg3A_441 = vector.broadcast %neg3A : f32 to vector<16xf32>
        %neg3A_442 = arith.subf %neg3A_441, %mul3A_440 : vector<16xf32>
        %mul3A_443 = arith.constant 64 : i32
        %mul3A_444 = arith.muli %scan3A_272, %mul3A_443 : i32
        %mul3A_445 = arith.constant 16 : i32
        %mul3A_446 = arith.muli %scan3A_327, %mul3A_445 : i32
        %add3A_447 = arith.addi %mul3A_444, %mul3A_446 : i32
        %swap3A = arith.index_cast %add3A_447 : i32 to index
        %swap3A_448 = tpu.vector_load %arg12[%swap3A] {strides = array<i32>} : memref<512xf32, #tpu.memory_space<vmem>>, vector<16xf32>,
        %swap3A_449 = vector.shape_cast %swap3A_448 : vector<16xf32> to vector<16xf32>
        %swap3A_450 = vector.shape_cast %neg3A_442 : vector<16xf32> to vector<16xf32>
        tpu.vector_store %arg12[%swap3A], %swap3A_450 {strides = array<i32>} : memref<512xf32, #tpu.memory_space<vmem>>, vector<16xf32>,
      }
      %scan3A_326 = arith.constant 4 : i32
    }
    %scan3A_271 = arith.constant 8 : i32
    "tpu.region"() ({
      %run_scoped3A = tpu.sem_alloc : memref<!tpu.dma_semaphore, #tpu.memory_space<semaphore_mem>>
      %dma_start3A_272 = tpu.memref_slice %arg6[%mul3A_2] : memref<16384xf32, #tpu.memory_space<hbm>> -> memref<512xf32, #tpu.memory_space<hbm>>
      %dma_start3A_273 = tpu.memref_slice %arg6[%mul3A_2] : memref<16384xf32, #tpu.memory_space<hbm>> -> memref<512xf32, #tpu.memory_space<hbm>>
      tpu.enqueue_dma source(%arg12 : memref<512xf32, #tpu.memory_space<vmem>>) target(%dma_start3A_273 : memref<512xf32, #tpu.memory_space<hbm>>) target_semaphore(%run_scoped3A : memref<!tpu.dma_semaphore, #tpu.memory_space<semaphore_mem>>)
      %dma_wait3A_274 = tpu.memref_slice %arg6[%mul3A_2] : memref<16384xf32, #tpu.memory_space<hbm>> -> memref<512xf32, #tpu.memory_space<hbm>>
      %dma_wait3A_275 = tpu.memref_slice %arg6[%mul3A_2] : memref<16384xf32, #tpu.memory_space<hbm>> -> memref<512xf32, #tpu.memory_space<hbm>>
      tpu.wait_dma2 semaphore(%run_scoped3A : memref<!tpu.dma_semaphore, #tpu.memory_space<semaphore_mem>>) src(%arg12 : memref<512xf32, #tpu.memory_space<vmem>>) dst(%dma_wait3A_275 : memref<512xf32, #tpu.memory_space<hbm>>)
      tpu.yield
    }) : () -> ()
    return
  }
}

</mosaic_0001>

<sc_bundles>
// kernel: kernel.3.cloned.1.call-start
scs
__scs_entry_jumppad:
0x0: {  	(pc) =	sbr.rel $0x88, $3  }
0x1: {  	(tag) =	ssettag $0x0;
	lr =	simm.s32 $0x1  }
0x2: {  	[smem:$0x3F9D] =	sst lr;
	_ =	strace $0xD0000000  }
0x3: {  	_ = 	snop  }
0x4: {  	_ = 	snop  }
0x5: {  	_ = 	snop  }
0x6: {  	_ = 	snop  }
0x7: {  	_ = 	snop  }
__scs_overlays_trampoline_lowered:
0x8: {  	[smem:$0x3FAC] =	sst s0  }
0x9: {  	[smem:$0x3FAD] =	sst s1  }
0xa: {  	[smem:$0x3FAE] =	sst s2  }
0xb: {  	[smem:$0x3FAF] =	sst s3  }
0xc: {  	[smem:$0x3FB0] =	sst s4  }
0xd: {  	[smem:$0x3FB1] =	sst s5  }
0xe: {  	[smem:$0x3FB2] =	sst s6  }
0xf: {  	[smem:$0x3FB3] =	sst s7  }
0x10: {  	[smem:$0x3FB4] =	sst s8  }
0x11: {  	[smem:$0x3FB5] =	sst s9;
	s0 =	simm.s32 @!p0 $0x0  }
0x12: {  	s1 =	sld [smem:$0x3F9B];
	s0 =	simm.s32 @p0 $0x1  }
0x13: {  	[smem:$0x3FB6] =	sst s0;
	s0 =	simm.s32 @!p1 $0x0  }
0x14: {  	s2 =	sld [smem:$0x3F9A];
	s0 =	simm.s32 @p1 $0x1  }
0x15: {  	[smem:$0x3FB7] =	sst s0;
	s0 =	simm.s32 @!p2 $0x0  }
0x16: {  	s3 =	sld [smem:$0x3FDB];
	s0 =	simm.s32 @p2 $0x1  }
0x17: {  	s4 =	simm.s32 $0x1BF5;
	[smem:$0x3FB9] =	sst s0  }
0x18: {  	s0 =	sld [smem:$0x3F9C];
	_ =	swait.ge [sflag:s4], $0x0  }
0x19: {  	s7 =	sld [smem:$0x3F9D]  }
0x1a: {  	s8 =	sadd.s32 $0xFFFFE003, lr  }
0x1b: {  	s9 =	sadd.s32 $0xFFFFFEF7, lr;
	s5 =	simm.s32 $0xFFFFFFFF;
	p2 =	slt.u32 s8, $0xFFFFF086  }
0x1c: {  	p1 =	slt.u32 s9, $0xF7A;
	s5 =	simm.s32 @!p2 $0x0  }
0x1d: {  	s5 =	simm.s32 @p1 $0x1;
	p0 =	seq.s32 s7, s2  }
0x1e: {  	s7 =	smul.u32 @!p0 $0xF7A, s2;
	p2 =	seq.s32 @!p0 s5, $0x0  }
0x1f: {  	s9 =	smul.u32 $0xF7A, s1;
	s8 =	simm.s32 @!p0 $0x1BF5;
	p2 =	por !p2, p0  }
0x20: {  	[sflag:s8] =	ssyncset.s32 @!p0 $0xFFFFF086;
	s6 =	sadd.s32 @!p0 s3, s7;
	s7 =	simm.s32 @!p0 $0x108  }
0x21: {  	s3 =	sadd.s32 s3, s9;
	s6 =	sadd.s32 @!p0 $0x88, s6;
	s7 =	simm.s32 @p2 $0x1082  }
0x22: {  	[simem:s7], [sflag:s8] =	dma.local @!p0 [hbm:s6], $0xF7A  }
0x23: {  	s9 =	sor.u32 $0xD0000000, s2;
	s6 =	simm.s32 $0x108;
	_ =	swait.ge @!p0 [sflag:s8], $0x0  }
0x24: {  	s3 =	sadd.s32 $0x88, s3;
	s6 =	simm.s32 @!p1 $0x1082;
	[sflag:s4] =	ssyncset.s32 $0xFFFFF086  }
0x25: {  	[simem:s6], [sflag:s4] =	dma.local [hbm:s3], $0xF7A  }
0x26: {  	[smem:$0x3F9D] =	sst s1;
	(tag) =	ssettag s2;
	_ =	strace s9  }
0x27: {  	s1 =	sld [smem:$0x3FAD]  }
0x28: {  	s2 =	sld [smem:$0x3FAE]  }
0x29: {  	s4 =	sld [smem:$0x3FB0]  }
0x2a: {  	p0 =	seq.s32 s5, $0x0;
	s5 =	sld [smem:$0x3FB1]  }
0x2b: {  	s6 =	sld [smem:$0x3FB2]  }
0x2c: {  	s7 =	sld [smem:$0x3FB3]  }
0x2d: {  	s3 =	simm.s32 $0x108;
	s8 =	sld [smem:$0x3FB4]  }
0x2e: {  	s3 =	simm.s32 @!p0 $0x1082;
	s9 =	sld [smem:$0x3FB5]  }
0x2f: {  	lr =	sadd.s32 s0, s3;
	s0 =	sld [smem:$0x3FAC]  }
0x30: {  	s3 =	sld [smem:$0x3FAF]  }
0x31: {  	[smem:$0x3FB8] =	sst s10  }
0x32: {  	s10 =	sld [smem:$0x3FB6];
	_ =	sdelay $0x3  }
0x33: {  	p0 =	seq.s32 s10, $0x1;
	s10 =	sld [smem:$0x3FB8];
	_ =	sdelay $0x3  }
0x34: {  	[smem:$0x3FB8] =	sst s10  }
0x35: {  	s10 =	sld [smem:$0x3FB7];
	_ =	sdelay $0x3  }
0x36: {  	p1 =	seq.s32 s10, $0x1;
	s10 =	sld [smem:$0x3FB8];
	_ =	sdelay $0x3  }
0x37: {  	[smem:$0x3FB8] =	sst s10  }
0x38: {  	s10 =	sld [smem:$0x3FB9]  }
0x39: {  	_ = 	snop;
	(pc) =	sbr.ind lr, $3  }
0x3a: {  	_ = 	snop  }
0x3b: {  	_ = 	snop  }
0x3c: {  	p2 =	seq.s32 s10, $0x1;
	s10 =	sld [smem:$0x3FB8]  }
0x3d: {  	_ =	shalt  }
0x3e: {  	_ =	shalt  }
0x3f: {  	_ =	shalt  }
0x40: {  	_ =	shalt  }
0x41: {  	_ =	shalt  }
0x42: {  	_ =	shalt  }
0x43: {  	_ =	shalt  }
0x44: {  	_ =	shalt  }
0x45: {  	_ =	shalt  }
0x46: {  	_ =	shalt  }
0x47: {  	_ =	shalt  }
0x48: {  	_ =	shalt  }
0x49: {  	_ =	shalt  }
0x4a: {  	_ =	shalt  }
0x4b: {  	_ =	shalt  }
0x4c: {  	_ =	shalt  }
0x4d: {  	_ =	shalt  }
0x4e: {  	_ =	shalt  }
0x4f: {  	_ =	shalt  }
0x50: {  	_ =	shalt  }
0x51: {  	_ =	shalt  }
0x52: {  	_ =	shalt  }
0x53: {  	_ =	shalt  }
0x54: {  	_ =	shalt  }
0x55: {  	_ =	shalt  }
0x56: {  	_ =	shalt  }
0x57: {  	_ =	shalt  }
0x58: {  	_ =	shalt  }
0x59: {  	_ =	shalt  }
0x5a: {  	_ =	shalt  }
0x5b: {  	_ =	shalt  }
0x5c: {  	_ =	shalt  }
0x5d: {  	_ =	shalt  }
0x5e: {  	_ =	shalt  }
0x5f: {  	_ =	shalt  }
0x60: {  	_ =	shalt  }
0x61: {  	_ =	shalt  }
0x62: {  	_ =	shalt  }
0x63: {  	_ =	shalt  }
0x64: {  	_ =	shalt  }
0x65: {  	_ =	shalt  }
0x66: {  	_ =	shalt  }
0x67: {  	_ =	shalt  }
0x68: {  	_ =	shalt  }
0x69: {  	_ =	shalt  }
0x6a: {  	_ =	shalt  }
0x6b: {  	_ =	shalt  }
0x6c: {  	_ =	shalt  }
0x6d: {  	_ =	shalt  }
0x6e: {  	_ =	shalt  }
0x6f: {  	_ =	shalt  }
0x70: {  	_ =	shalt  }
0x71: {  	_ =	shalt  }
0x72: {  	_ =	shalt  }
0x73: {  	_ =	shalt  }
0x74: {  	_ =	shalt  }
0x75: {  	_ =	shalt  }
0x76: {  	_ =	shalt  }
0x77: {  	_ =	shalt  }
0x78: {  	_ =	shalt  }
0x79: {  	_ =	shalt  }
0x7a: {  	_ =	shalt  }
0x7b: {  	_ =	shalt  }
0x7c: {  	_ =	shalt  }
0x7d: {  	_ =	shalt  }
0x7e: {  	_ =	shalt  }
0x7f: {  	_ =	shalt  }
0x80: {  	_ =	shalt  }
0x81: {  	_ =	shalt  }
0x82: {  	_ =	shalt  }
0x83: {  	_ =	shalt  }
0x84: {  	_ =	shalt  }
0x85: {  	_ =	shalt  }
0x86: {  	_ =	shalt  }
0x87: {  	_ =	shalt  }
.Lfunc_end0:
.L_simem_size_0:
called_computation_lowered:
.L_overlay_start_0:
0x88: {  	s2 =	sld [smem:$0x3FD9]  }
0x89: {  	s3 =	sld [smem:$0x3FFE];
	_ =	sdelay $0x1  }
0x8a: {  	s1 =	srdreg.scid  }
0x8b: {  	s0 =	sand.u32 $0x1, s1  }
0x8c: {  	s18 =	sshll.u32 s0, $0xA;
	s2 =	sadd.s32 s3, s2  }
0x8d: {  	s2 =	sadd.s32 s2, s18  }
0x8e: {  	[smem:$0x3FC4] =	sst s2  }
0x8f: {  	_ = 	snop  }
0x90: {  	s2 =	sld [smem:$0x3FC9]  }
0x91: {  	s19 =	sld [smem:$0x3FC8]  }
0x92: {  	s4 =	sld [smem:$0x3FC7]  }
0x93: {  	s5 =	sld [smem:$0x3FC6]  }
0x94: {  	s6 =	sld [smem:$0x3FD0];
	(tm) =	ssettm $0x1  }
0x95: {  	s7 =	sld [smem:$0x3FFB];
	_ =	sdelay $0x3  }
0x96: {  	_ =	strace s7  }
0x97: {  	s7 =	sld [smem:$0x3FFC];
	_ =	sdelay $0x3  }
0x98: {  	_ =	strace s7  }
0x99: {  	s7 =	sld [smem:$0x3FFD];
	_ =	sdelay $0x3  }
0x9a: {  	_ =	strace s7  }
0x9b: {  	_ =	strace $0x8FFFFFFF  }
0x9c: {  	s20 =	sld [smem:$0x3FDB];
	_ =	sdelay $0x1  }
0x9d: {  	s8 =	simm.s32 $_scs_section_size  }
0x9e: {  	s9 =	simm.s32 $_size__tile_overlayer_lowered;
	s10 =	simm.s32 $_tile_overlayer_lowered  }
0x9f: {  	s23 =	simm.s32 $0x1BFF;
	s22 =	sshll.u32 s10, $0x1;
	s7 =	sadd.s32 s8, s20  }
0xa0: {  	s11 =	simm.s32 $0x0;
	s21 =	sshll.u32 s9, $0x1;
	s9 =	sadd.s32 s22, s7  }
0xa1: {  	[timem:s11], [sflag:s23] =	dma.local [hbm:s9], s21  }
0xa2: {  	_ =	swait.ge [sflag:s23], s21  }
0xa3: {  	s8 =	ssub.s32 $0x0, s21;
	[sflag:s23] =	ssyncset.done $0x0  }
0xa4: {  	[sflag:s23] =	ssyncadd.s32 s8;
	_ =	sdelay $0x1  }
0xa5: {  	s24 =	simm.s32 $0x1B8B  }
0xa6: {  	_ =	swait.ge [sflag:s24], $0x1  }
0xa7: {  	[sflag:s24] =	ssyncset.done $0x0  }
0xa8: {  	s25 =	simm.s32 $0x1B8E;
	[sflag:s24] =	ssyncadd.s32 $0xFFFFFFFF  }
0xa9: {  	s26 =	simm.s32 $execute0_lowered;
	[smem:$0x3FD2] =	sst s25  }
0xaa: {  	s8 =	sshll.u32 s26, $0x1;
	_ =	strace $0x80000046;
	[dreg:$0x1] =	wrdreg $0xFFFFFFFF  }
0xab: {  	s28 =	simm.s32 $_size_execute0_lowered;
	s7 =	sadd.s32 s7, s8;
	[dreg:$0x0] =	wrdreg $0x0  }
0xac: {  	s8 =	sshll.u32 s28, $0x1;
	[dreg:$0x2] =	wrdreg s7  }
0xad: {  	[dreg:$0x3] =	wrdreg s8  }
0xae: {  	[dreg:$0x4] =	wrdreg $0xC0  }
0xaf: {  	_ =	task [dreg:s11], $0x5FFFF  }
0xb0: {  	[dreg:$0x1] =	wrdreg $0xFFFFFFFF  }
0xb1: {  	[dreg:$0x0] =	wrdreg $0x60  }
0xb2: {  	[dreg:$0x2] =	wrdreg s2  }
0xb3: {  	[dreg:$0x3] =	wrdreg s19  }
0xb4: {  	[dreg:$0x4] =	wrdreg s4  }
0xb5: {  	[dreg:$0x5] =	wrdreg s5  }
0xb6: {  	[dreg:$0x6] =	wrdreg s6  }
0xb7: {  	[dreg:$0x7] =	wrdreg $0x9  }
0xb8: {  	_ =	task.clear_ibuf [dreg:s11], $0x8FFFF;
	_ =	strace $0x90000046  }
0xb9: {  	s29 =	simm.s32 $0x9;
	_ =	strace $0x80000048  }
0xba: {  	_ =	swait.ge [sflag:s29], $0x1  }
0xbb: {  	[sflag:s29] =	ssyncadd.s32 $0xFFFFFFFF  }
0xbc: {  	_ =	strace $0x90000048  }
0xbd: {  	_ =	sfence  }
0xbe: {  	s30 =	sld [smem:$0x0];
	_ =	sdelay $0x2  }
0xbf: {  	s31 =	sshll.u32 s1, $0xD;
	s1 =	sshrl.u32 s1, $0x2  }
0xc0: {  	s3 =	sand.u32 $0x4000, s31;
	s1 =	sadd.s32 s1, s30  }
0xc1: {  	s0 =	sor.u32 s3, s0;
	s1 =	sshll.u32 s1, $0x11  }
0xc2: {  	s0 =	sor.u32 s1, s0  }
0xc3: {  	s0 =	sadd.s32 $0x8F2B, s0  }
0xc4: {  	[sflag:s0] =	ssyncadd.remote.s32 $0x1  }
0xc5: {  	_ =	sfence.sel $0xFFFF  }
0xc6: {  	[dreg:$0x0] =	wrdreg $0xFFFFFFFF;
	(pc) =	sbr.abs _section_cstart, $3  }
0xc7: {  	[dreg:$0x1] =	wrdreg $0xFFFFFFFF  }
0xc8: {  	_ =	task.clear_ibuf [dreg:s11], $0x2FFFF;
	_ =	strace $0x9FFFFFFF  }
0xc9: {  	(tm) =	ssettm $0x7FFFFFFF  }
tec
execute0_lowered:
.L_overlay_start_1:
0x0: {  	(tag) =	ssettag $0x1  }
0x1: {  	s1 =	rddreg [dreg:$0x0]  }
0x2: {  	s0 =	rddreg [dreg:$0x1]  }
0x3: {  	s3 =	rddreg [dreg:$0x2];
	v0 =	vimm.s32 $0x76543210;
	v1 =	vimm.s32 $0xFEDCBA98  }
0x4: {  	s2 =	rddreg [dreg:$0x3];
	v2 =	vimm.s32 $0xBA98FEDC;
	v3 =	vimm.s32 $0x32107654;
	v4 =	vimm.s32 $0xDCFE98BA  }
0x5: {  	s11 =	rddreg [dreg:$0x4];
	s5 =	srdreg.scid;
	s4 =	simm.s32 $0x0;
	v5 =	vimm.s32 $0x54761032;
	v6 =	vimm.s32 $0xEFCDAB89;
	v7 =	vimm.s32 $0x67452301  }
0x6: {  	s6 =	stileid.u32;
	s14 =	simm.s32 $0x200;
	s15 =	simm.s32 $0x2;
	v0 =	vunpack.c.l.s4.s8 v0;
	v1 =	vunpack.c.l.s4.s8 v1;
	v2 =	vunpack.c.l.s4.s8 v2  }
0x7: {  	s16 =	simm.s32 $0x6;
	s20 =	simm.s32 $0x20;
	s24 =	simm.s32 $0xD400;
	v3 =	vunpack.c.l.s4.s8 v3;
	v4 =	vunpack.c.l.s4.s8 v4;
	v5 =	vunpack.c.l.s4.s8 v5  }
0x8: {  	s25 =	simm.s32 $0x18400;
	s26 =	simm.s32 $0xD;
	s5 =	sand.u32 $0x1, s5;
	v6 =	vunpack.c.l.s4.s8 v6;
	v7 =	vunpack.c.l.s4.s8 v7;
	v2 =	vunpack.c.0.s8.s32 v2  }
0x9: {  	s28 =	simm.s32 $0x0;
	s6 =	sshll.u32 s6, $0xA;
	s7 =	sshll.u32 s5, $0x9;
	v3 =	vunpack.c.0.s8.s32 v3;
	v4 =	vunpack.c.0.s8.s32 v4;
	v5 =	vunpack.c.0.s8.s32 v5  }
0xa: {  	[smem:$0x7FF] =	sst s4;
	s8 =	ssub.s32 $0x2, s5;
	s5 =	sor.u32 s7, s6;
	v1 =	vunpack.c.0.s8.s32 v1;
	v6 =	vunpack.c.0.s8.s32 v6;
	v7 =	vunpack.c.0.s8.s32 v7  }
0xb: {  	_ =	strace $0x80000047;
	s31 =	sshrl.u32 s8, $0x1;
	v0 =	vunpack.c.0.s8.s32 v0;
	s7 =	sshll.u32 s5, $0x4;
	v2 =	vcombine.low v3, v2  }
0xc: {  	s12 =	sshrl.u32 s5, $0x3;
	s13 =	ssub.s32 s8, s31;
	s6 =	sadd.s32 s1, s7;
	v3 =	vcombine.low v5, v4;
	v1 =	vand.u32 $0xF, v1;
	v4 =	vcombine.low v7, v6  }
0xd: {  	s7 =	sadd.s32 s0, s12;
	s8 =	sadd.s32 s3, s12;
	s11 =	sadd.s32 s11, s12;
	v5 =	vimm.f32 $4.096000000e+03;
	v0 =	vcombine.low v1, v0;
	v1 =	vand.u32 $0xF, v2  }
0xe: {  	s12 =	smax.u32 s13, $0x1;
	s9 =	sadd.s32 $0x400, s6;
	s10 =	sadd.s32 $0x800, s6;
	v2 =	vand.u32 $0xF, v3;
	v3 =	vand.u32 $0xF, v4;
	v4 =	vlaneseq.u32  }
.LBB2_1:
0xf: {  	s0 =	simm.s32 $0x10400  }
0x10: {  	[tilespmem:s0], [sflag:$0x9] =	stream.linear.gather [hbm4b:s6+s4], $0x2000, $0x38;
	[tilespmem:$0x18600] =	vst v63  }
0x11: {  	_ = 	snop  }
0x12: {  	[tilespmem:s4], [sflag:$0x2] =	stream.linear.gather [hbm4b:s7+s4], $0x200, $0x38;
	[tilespmem:$0x18600] =	vst v63  }
0x13: {  	_ = 	snop  }
0x14: {  	[tilespmem:s14], [sflag:$0x6] =	stream.linear.gather [hbm4b:s8+s4], $0x200, $0x38;
	[tilespmem:$0x18600] =	vst v63  }
0x15: {  	_ =	swait.ge [sflag:s15], $0x200  }
0x16: {  	[sflag:s15] =	ssyncset.done $0x0  }
0x17: {  	[sflag:s15] =	ssyncadd.s32 $0xFFFFFE00  }
0x18: {  	_ =	swait.ge [sflag:s16], $0x200  }
0x19: {  	[sflag:s16] =	ssyncset.done $0x0  }
0x1a: {  	s21 =	simm.s32 $0x400;
	[sflag:s16] =	ssyncadd.s32 $0xFFFFFE00  }
0x1b: {  	[tilespmem:s21], [sflag:$0x1] =	stream.indirect.gather [hbm4b:s2+s20], $0x80, s4, s20, $0xb8;
	[tilespmem:$0x18600] =	vst v63  }
0x1c: {  	s22 =	simm.s32 $0x8400  }
0x1d: {  	[tilespmem:s22], [sflag:$0x5] =	stream.indirect.gather [hbm4b:s2+s20], $0x80, s14, s20, $0xb8;
	[tilespmem:$0x18600] =	vst v63  }
0x1e: {  	s23 =	simm.s32 $0x1400  }
0x1f: {  	[tilespmem:s23], [sflag:$0x1] =	stream.indirect.gather [hbm4b:s2+s20], $0x80, s20, s20, $0xb8;
	[tilespmem:$0x18600] =	vst v63  }
0x20: {  	s31 =	simm.s32 $0x220;
	s3 =	simm.s32 $0x9400  }
0x21: {  	[tilespmem:s3], [sflag:$0x5] =	stream.indirect.gather [hbm4b:s2+s20], $0x80, s31, s20, $0xb8;
	[tilespmem:$0x18600] =	vst v63  }
0x22: {  	s3 =	simm.s32 $0x12400  }
0x23: {  	[tilespmem:s3], [sflag:$0xA] =	stream.linear.gather [hbm4b:s9+s4], $0x2000, $0x38;
	[tilespmem:$0x18600] =	vst v63  }
0x24: {  	s13 =	simm.s32 $0x40;
	s17 =	simm.s32 $0x2400  }
0x25: {  	[tilespmem:s17], [sflag:$0x2] =	stream.indirect.gather [hbm4b:s2+s20], $0x80, s13, s20, $0xb8;
	[tilespmem:$0x18600] =	vst v63  }
0x26: {  	s18 =	simm.s32 $0x240;
	s19 =	simm.s32 $0xA400  }
0x27: {  	[tilespmem:s19], [sflag:$0x6] =	stream.indirect.gather [hbm4b:s2+s20], $0x80, s18, s20, $0xb8;
	[tilespmem:$0x18600] =	vst v63  }
0x28: {  	s21 =	simm.s32 $0x60;
	s22 =	simm.s32 $0x3400  }
0x29: {  	[tilespmem:s22], [sflag:$0x2] =	stream.indirect.gather [hbm4b:s2+s20], $0x80, s21, s20, $0xb8;
	[tilespmem:$0x18600] =	vst v63  }
0x2a: {  	s23 =	simm.s32 $0x260;
	s31 =	simm.s32 $0xB400  }
0x2b: {  	[tilespmem:s31], [sflag:$0x6] =	stream.indirect.gather [hbm4b:s2+s20], $0x80, s23, s20, $0xb8;
	[tilespmem:$0x18600] =	vst v63  }
0x2c: {  	s13 =	simm.s32 $0x14400  }
0x2d: {  	[tilespmem:s13], [sflag:$0xB] =	stream.linear.gather [hbm4b:s10+s4], $0x2000, $0x38;
	[tilespmem:$0x18600] =	vst v63  }
0x2e: {  	s17 =	simm.s32 $0x80;
	s18 =	simm.s32 $0x4400  }
0x2f: {  	[tilespmem:s18], [sflag:$0x3] =	stream.indirect.gather [hbm4b:s2+s20], $0x80, s17, s20, $0xb8;
	[tilespmem:$0x18600] =	vst v63  }
0x30: {  	s19 =	simm.s32 $0x280;
	s21 =	simm.s32 $0xC400  }
0x31: {  	[tilespmem:s21], [sflag:$0x7] =	stream.indirect.gather [hbm4b:s2+s20], $0x80, s19, s20, $0xb8;
	[tilespmem:$0x18600] =	vst v63  }
0x32: {  	s22 =	simm.s32 $0xA0;
	s23 =	simm.s32 $0x5400  }
0x33: {  	[tilespmem:s23], [sflag:$0x3] =	stream.indirect.gather [hbm4b:s2+s20], $0x80, s22, s20, $0xb8;
	[tilespmem:$0x18600] =	vst v63  }
0x34: {  	s29 =	simm.s32 $0x0;
	s30 =	simm.s32 $0x0;
	s31 =	simm.s32 $0x2A0  }
0x35: {  	[tilespmem:s24], [sflag:$0x7] =	stream.indirect.gather [hbm4b:s2+s20], $0x80, s31, s20, $0xb8;
	[tilespmem:$0x18600] =	vst v63  }
.LBB2_2:
0x36: {  	p0 =	sgt.u32 s30, $0x4  }
0x37: {  	s0 =	sadd.s32 @!p0 $0x3, s30  }
0x38: {  	s3 =	sand.u32 @!p0 $0x3, s0;
	s0 =	sshll.u32 @!p0 s0, $0x6  }
0x39: {  	s17 =	sadd.s32 @!p0 s5, s0  }
0x3a: {  	s21 =	simm.s32 @!p0 $0x0;
	s13 =	sshll.u32 @!p0 s3, $0xD;
	s17 =	sshll.u32 @!p0 s17, $0x4  }
0x3b: {  	s19 =	sadd.s32 @!p0 $0x9, s3;
	s18 =	sor.u32 @!p0 $0x10400, s13;
	s17 =	sadd.s32 @!p0 s1, s17  }
0x3c: {  	[tilespmem:s18], [sflag:s19] =	stream.linear.gather @!p0 [hbm4b:s17+s21], $0x2000, $0x38;
	[tilespmem:$0x18600] =	vst v63  }
0x3d: {  	s17 =	sor.u32 @!p0 $0x400, s13;
	s18 =	sadd.s32 @!p0 $0x1, s3;
	s19 =	simm.s32 @!p0 $0x20  }
0x3e: {  	[tilespmem:s17], [sflag:s18] =	stream.indirect.gather @!p0 [hbm4b:s2+s19], $0x80, s0, s19, $0xb8;
	[tilespmem:$0x18600] =	vst v63  }
0x3f: {  	s21 =	sadd.s32 @!p0 $0x200, s0;
	s3 =	sadd.s32 @!p0 $0x5, s3;
	s17 =	sor.u32 @!p0 $0x8400, s13  }
0x40: {  	[tilespmem:s17], [sflag:s3] =	stream.indirect.gather @!p0 [hbm4b:s2+s19], $0x80, s21, s19, $0xb8;
	[tilespmem:$0x18600] =	vst v63  }
0x41: {  	s17 =	sor.u32 @!p0 $0x20, s0;
	s21 =	sor.u32 @!p0 $0x1400, s13  }
0x42: {  	[tilespmem:s21], [sflag:s18] =	stream.indirect.gather @!p0 [hbm4b:s2+s19], $0x80, s17, s19, $0xb8;
	[tilespmem:$0x18600] =	vst v63  }
0x43: {  	s13 =	sor.u32 @!p0 $0x9400, s13;
	s0 =	sadd.s32 @!p0 $0x220, s0  }
0x44: {  	[tilespmem:s13], [sflag:s3] =	stream.indirect.gather @!p0 [hbm4b:s2+s19], $0x80, s0, s19, $0xb8;
	[tilespmem:$0x18600] =	vst v63  }
0x45: {  	s19 =	sand.u32 $0x3, s30  }
0x46: {  	s21 =	sadd.s32 $0x1, s19  }
0x47: {  	_ =	swait.ge [sflag:s21], $0x2000  }
0x48: {  	[sflag:s21] =	ssyncset.done $0x0  }
0x49: {  	s22 =	sadd.s32 $0x5, s19;
	[sflag:s21] =	ssyncadd.s32 $0xFFFFE000  }
0x4a: {  	_ =	swait.ge [sflag:s22], $0x2000  }
0x4b: {  	s23 =	sshll.u32 s29, $0xD;
	s31 =	sshll.u32 s30, $0x6;
	[sflag:s22] =	ssyncset.done $0x0  }
0x4c: {  	s13 =	sand.u32 $0x6000, s23;
	s0 =	sadd.s32 $0x9, s19;
	[sflag:s22] =	ssyncadd.s32 $0xFFFFE000  }
0x4d: {  	s3 =	sand.u32 $0x3FFFFFC0, s31;
	s18 =	sor.u32 $0x8480, s13;
	_ =	swait.ge [sflag:s0], $0x2000  }
0x4e: {  	s3 =	sadd.s32 $0x18400, s3;
	s19 =	sor.u32 $0x10480, s13;
	[sflag:s0] =	ssyncset.done $0x0  }
0x4f: {  	v6 =	vmov s3;
	s22 =	sor.u32 $0x480, s13;
	s13 =	simm.s32 $0x0;
	[sflag:s0] =	ssyncadd.s32 $0xFFFFE000  }
.LBB2_3:
0x50: {  	v7 =	vld [tilespmem:s22+$0x70]  }
0x51: {  	v8 =	vld [tilespmem:s19+$0x70]  }
0x52: {  	v9 =	vld [tilespmem:s22+$0xFFFFFFF0]  }
0x53: {  	v10 =	vld [tilespmem:s19+$0xFFFFFFF0]  }
0x54: {  	v37 =	vld [tilespmem:s22+$0x60]  }
0x55: {  	v38 =	vld [tilespmem:s19+$0x60]  }
0x56: {  	v11 =	vld [tilespmem:s22+$0xFFFFFFE0]  }
0x57: {  	v39 =	vld [tilespmem:s19+$0xFFFFFFE0]  }
0x58: {  	v12 =	vld [tilespmem:s22+$0x50]  }
0x59: {  	v14 =	vld [tilespmem:s19+$0x50]  }
0x5a: {  	v16 =	vld [tilespmem:s22+$0xFFFFFFD0]  }
0x5b: {  	v18 =	vld [tilespmem:s19+$0xFFFFFFD0]  }
0x5c: {  	v15 =	vld [tilespmem:s22+$0x40]  }
0x5d: {  	v17 =	vld [tilespmem:s19+$0x40]  }
0x5e: {  	v20 =	vld [tilespmem:s22+$0xFFFFFFC0]  }
0x5f: {  	v22 =	vld [tilespmem:s19+$0xFFFFFFC0]  }
0x60: {  	v19 =	vld [tilespmem:s22+$0x30]  }
0x61: {  	v21 =	vld [tilespmem:s19+$0x30]  }
0x62: {  	v24 =	vld [tilespmem:s22+$0xFFFFFFB0]  }
0x63: {  	v26 =	vld [tilespmem:s19+$0xFFFFFFB0]  }
0x64: {  	v13 =	vld [tilespmem:s18+$0x0]  }
0x65: {  	v25 =	vld [tilespmem:s22+$0x20]  }
0x66: {  	v27 =	vld [tilespmem:s19+$0x20]  }
0x67: {  	v23 =	vld [tilespmem:s18+$0xFFFFFF80]  }
0x68: {  	v29 =	vld [tilespmem:s22+$0xFFFFFFA0]  }
0x69: {  	v32 =	vld [tilespmem:s19+$0xFFFFFFA0]  }
0x6a: {  	v28 =	vld [tilespmem:s22+$0x0]  }
0x6b: {  	v30 =	vld [tilespmem:s19+$0x0]  }
0x6c: {  	v31 =	vld [tilespmem:s22+$0x10]  }
0x6d: {  	v33 =	vld [tilespmem:s22+$0xFFFFFF80]  }
0x6e: {  	v34 =	vld [tilespmem:s19+$0xFFFFFF80]  }
0x6f: {  	v35 =	vld [tilespmem:s22+$0xFFFFFF90];
	s21 =	simm.s32 $0x2;
	s3 =	smov.u32 s19;
	v9 =	vadd.f32 v10, v9;
	v8 =	vadd.f32 v8, v7  }
0x70: {  	v36 =	vld [tilespmem:s19+$0xFFFFFF90];
	s0 =	smov.u32 s18;
	s31 =	smov.u32 s22;
	s17 =	simm.s32 $0x0;
	v7 =	vimm.f32 $0.0e+00;
	v11 =	vadd.f32 v39, v11;
	v10 =	vadd.f32 v38, v37  }
.LBB2_4:
0x71: {  	p0 =	sne.s32 s21, $0xE;
	v16 =	vadd.f32 v18, v16;
	v18 =	vld [tilespmem:s3+$0x10];
	v12 =	vadd.f32 v14, v12  }
0x72: {  	v20 =	vadd.f32 v22, v20;
	v15 =	vadd.f32 v17, v15;
	v14 =	vld [tilespmem:s0+$0xFFFFFF90]  }
0x73: {  	v17 =	vadd.f32 v26, v24;
	v19 =	vadd.f32 v21, v19;
	v22 =	vld [tilespmem:s0+$0x10]  }
0x74: {  	v24 =	vadd.f32 v32, v29;
	v25 =	vadd.f32 v27, v25;
	v21 =	vld [tilespmem:s0+$0xFFFFFFA0]  }
0x75: {  	v26 =	vadd.f32 v34, v33;
	v27 =	vadd.f32 v36, v35;
	v29 =	vld [tilespmem:s0+$0x20]  }
0x76: {  	v28 =	vadd.f32 v30, v28;
	v32 =	vld [tilespmem:s0+$0xFFFFFFB0];
	v18 =	vadd.f32 v18, v31  }
0x77: {  	v23 =	vsub.f32 v26, v23;
	v14 =	vsub.f32 v27, v14;
	v26 =	vld [tilespmem:s0+$0x30]  }
0x78: {  	v13 =	vsub.f32 v28, v13;
	v27 =	vld [tilespmem:s0+$0xFFFFFFC0];
	v18 =	vsub.f32 v18, v22  }
0x79: {  	v22 =	vmul.f32 v23, v23;
	v14 =	vmul.f32 v14, v14;
	v21 =	vsub.f32 v24, v21;
	v23 =	vld [tilespmem:s0+$0x40]  }
0x7a: {  	v13 =	vmul.f32 v13, v13;
	v24 =	vld [tilespmem:s0+$0xFFFFFFD0];
	v18 =	vmul.f32 v18, v18;
	v25 =	vsub.f32 v25, v29  }
0x7b: {  	v14 =	vadd.f32 v14, v22;
	v21 =	vmul.f32 v21, v21;
	v17 =	vsub.f32 v17, v32;
	v22 =	vld [tilespmem:s0+$0x50]  }
0x7c: {  	v28 =	vld [tilespmem:s0+$0xFFFFFFE0];
	v13 =	vadd.f32 v18, v13;
	v18 =	vmul.f32 v25, v25;
	v19 =	vsub.f32 v19, v26  }
0x7d: {  	v14 =	vadd.f32 v21, v14;
	v17 =	vmul.f32 v17, v17;
	v20 =	vsub.f32 v20, v27;
	v21 =	vld [tilespmem:s0+$0x60]  }
0x7e: {  	v25 =	vld [tilespmem:s0+$0xFFFFFFF0];
	v13 =	vadd.f32 v18, v13;
	v18 =	vmul.f32 v19, v19;
	v15 =	vsub.f32 v15, v23  }
0x7f: {  	s31 =	sadd.s32 $0x100, s31;
	v14 =	vadd.f32 v17, v14;
	v17 =	vmul.f32 v20, v20;
	v16 =	vsub.f32 v16, v24;
	v19 =	vld [tilespmem:s0+$0x70]  }
0x80: {  	s3 =	sadd.s32 $0x100, s3;
	v36 =	vld [tilespmem:s31+$0x70];
	v13 =	vadd.f32 v18, v13;
	v15 =	vmul.f32 v15, v15;
	v12 =	vsub.f32 v12, v22  }
0x81: {  	v37 =	vld [tilespmem:s3+$0x70];
	v14 =	vadd.f32 v17, v14;
	v16 =	vmul.f32 v16, v16;
	v11 =	vsub.f32 v11, v28  }
0x82: {  	v38 =	vld [tilespmem:s31+$0xFFFFFFF0];
	v13 =	vadd.f32 v15, v13;
	v12 =	vmul.f32 v12, v12;
	v10 =	vsub.f32 v10, v21  }
0x83: {  	v39 =	vld [tilespmem:s3+$0xFFFFFFF0];
	v14 =	vadd.f32 v16, v14;
	v11 =	vmul.f32 v11, v11;
	v9 =	vsub.f32 v9, v25  }
0x84: {  	v40 =	vld [tilespmem:s31+$0x60];
	v12 =	vadd.f32 v12, v13;
	v10 =	vmul.f32 v10, v10;
	v8 =	vsub.f32 v8, v19  }
0x85: {  	v41 =	vld [tilespmem:s3+$0x60];
	v11 =	vadd.f32 v11, v14;
	v9 =	vmul.f32 v9, v9  }
0x86: {  	v42 =	vld [tilespmem:s31+$0xFFFFFFE0];
	v10 =	vadd.f32 v10, v12;
	v8 =	vmul.f32 v8, v8  }
0x87: {  	v43 =	vld [tilespmem:s3+$0xFFFFFFE0];
	v9 =	vadd.f32 v9, v11  }
0x88: {  	v12 =	vld [tilespmem:s31+$0x50];
	v8 =	vadd.f32 v8, v10  }
0x89: {  	v14 =	vld [tilespmem:s3+$0x50];
	v10 =	vperm.xlane v9, v0  }
0x8a: {  	v16 =	vld [tilespmem:s31+$0xFFFFFFD0];
	v11 =	vperm.xlane v8, v0  }
0x8b: {  	v18 =	vld [tilespmem:s3+$0xFFFFFFD0];
	v9 =	vadd.f32 v9, v10  }
0x8c: {  	v15 =	vld [tilespmem:s31+$0x40];
	v8 =	vadd.f32 v8, v11  }
0x8d: {  	v17 =	vld [tilespmem:s3+$0x40];
	v10 =	vperm.xlane v9, v1  }
0x8e: {  	v20 =	vld [tilespmem:s31+$0xFFFFFFC0];
	v11 =	vperm.xlane v8, v1  }
0x8f: {  	v22 =	vld [tilespmem:s3+$0xFFFFFFC0];
	v9 =	vadd.f32 v9, v10  }
0x90: {  	v19 =	vld [tilespmem:s31+$0x30];
	v8 =	vadd.f32 v8, v11  }
0x91: {  	v21 =	vld [tilespmem:s3+$0x30];
	v10 =	vperm.xlane v9, v2  }
0x92: {  	v24 =	vld [tilespmem:s31+$0xFFFFFFB0];
	v11 =	vperm.xlane v8, v2  }
0x93: {  	s0 =	sadd.s32 $0x100, s0;
	v26 =	vld [tilespmem:s3+$0xFFFFFFB0];
	v9 =	vadd.f32 v9, v10  }
0x94: {  	v13 =	vld [tilespmem:s0+$0x0];
	v8 =	vadd.f32 v8, v11  }
0x95: {  	v25 =	vld [tilespmem:s31+$0x20];
	v10 =	vperm.xlane v9, v3  }
0x96: {  	v27 =	vld [tilespmem:s3+$0x20];
	v11 =	vperm.xlane v8, v3  }
0x97: {  	s23 =	sadd.s32 $0x1, s17;
	v23 =	vld [tilespmem:s0+$0xFFFFFF80];
	v9 =	vadd.f32 v9, v10;
	v10 =	vmov s17;
	s17 =	smov.u32 s21  }
0x98: {  	v29 =	vld [tilespmem:s31+$0xFFFFFFA0];
	vm0 =	veq.s32 v10, v4;
	v8 =	vadd.f32 v8, v11;
	v10 =	vmov s23  }
0x99: {  	v32 =	vld [tilespmem:s3+$0xFFFFFFA0];
	v7 =	vsel vm0, v9, v7;
	vm0 =	veq.s32 v10, v4  }
0x9a: {  	v28 =	vld [tilespmem:s31+$0x0];
	v7 =	vsel vm0, v8, v7  }
0x9b: {  	v30 =	vld [tilespmem:s3+$0x0]  }
.Ltmp0:
0x9c: {  	v31 =	vld [tilespmem:s31+$0x10];
	(pc) =	sbr.rel @p0 .LBB2_4-.Ltmp0, $4  }
0x9d: {  	v33 =	vld [tilespmem:s31+$0xFFFFFF80]  }
0x9e: {  	v34 =	vld [tilespmem:s3+$0xFFFFFF80]  }
0x9f: {  	v9 =	vadd.f32 v39, v38;
	v8 =	vadd.f32 v37, v36;
	v35 =	vld [tilespmem:s31+$0xFFFFFF90]  }
0xa0: {  	s21 =	sadd.s32 $0x2, s21;
	v11 =	vadd.f32 v43, v42;
	v10 =	vadd.f32 v41, v40;
	v36 =	vld [tilespmem:s3+$0xFFFFFF90]  }
0xa1: {  	v16 =	vadd.f32 v18, v16;
	v57 =	vld [tilespmem:s3+$0x10];
	v12 =	vadd.f32 v14, v12  }
0xa2: {  	v58 =	vld [tilespmem:s0+$0xFFFFFF90];
	v20 =	vadd.f32 v22, v20;
	v15 =	vadd.f32 v17, v15  }
0xa3: {  	v59 =	vadd.f32 v26, v24;
	v60 =	vld [tilespmem:s0+$0x10];
	v19 =	vadd.f32 v21, v19  }
0xa4: {  	v61 =	vld [tilespmem:s0+$0xFFFFFFA0];
	v62 =	vadd.f32 v32, v29;
	v25 =	vadd.f32 v27, v25  }
0xa5: {  	v38 =	vld [tilespmem:s0+$0x20];
	v63 =	vadd.f32 v34, v33;
	v37 =	vadd.f32 v36, v35  }
0xa6: {  	v39 =	vld [tilespmem:s0+$0xFFFFFFB0];
	v28 =	vadd.f32 v30, v28;
	v18 =	vadd.f32 v57, v31  }
0xa7: {  	v40 =	vld [tilespmem:s0+$0x30];
	v23 =	vsub.f32 v63, v23;
	v14 =	vsub.f32 v37, v58  }
0xa8: {  	v41 =	vld [tilespmem:s0+$0xFFFFFFC0];
	v13 =	vsub.f32 v28, v13;
	v18 =	vsub.f32 v18, v60  }
0xa9: {  	v43 =	vld [tilespmem:s0+$0x40];
	v21 =	vsub.f32 v62, v61;
	v42 =	vmul.f32 v23, v23;
	v14 =	vmul.f32 v14, v14  }
0xaa: {  	v44 =	vld [tilespmem:s0+$0xFFFFFFD0];
	v13 =	vmul.f32 v13, v13;
	v25 =	vsub.f32 v25, v38;
	v18 =	vmul.f32 v18, v18  }
0xab: {  	v45 =	vld [tilespmem:s0+$0x50];
	v17 =	vsub.f32 v59, v39;
	v21 =	vmul.f32 v21, v21;
	v14 =	vadd.f32 v14, v42  }
0xac: {  	v46 =	vld [tilespmem:s0+$0xFFFFFFE0];
	v19 =	vsub.f32 v19, v40;
	v47 =	vmul.f32 v25, v25;
	v13 =	vadd.f32 v18, v13  }
0xad: {  	v48 =	vld [tilespmem:s0+$0x60];
	v20 =	vsub.f32 v20, v41;
	v17 =	vmul.f32 v17, v17;
	v14 =	vadd.f32 v21, v14  }
0xae: {  	v49 =	vld [tilespmem:s0+$0xFFFFFFF0];
	v15 =	vsub.f32 v15, v43;
	v50 =	vmul.f32 v19, v19;
	v13 =	vadd.f32 v47, v13  }
0xaf: {  	v52 =	vld [tilespmem:s0+$0x70];
	v16 =	vsub.f32 v16, v44;
	v51 =	vmul.f32 v20, v20;
	v14 =	vadd.f32 v17, v14  }
0xb0: {  	v12 =	vsub.f32 v12, v45;
	v15 =	vmul.f32 v15, v15;
	v13 =	vadd.f32 v50, v13  }
0xb1: {  	v11 =	vsub.f32 v11, v46;
	v16 =	vmul.f32 v16, v16;
	v14 =	vadd.f32 v51, v14  }
0xb2: {  	v10 =	vsub.f32 v10, v48;
	v12 =	vmul.f32 v12, v12;
	v13 =	vadd.f32 v15, v13  }
0xb3: {  	v9 =	vsub.f32 v9, v49;
	v11 =	vmul.f32 v11, v11;
	v14 =	vadd.f32 v16, v14  }
0xb4: {  	v8 =	vsub.f32 v8, v52;
	v10 =	vmul.f32 v10, v10;
	v12 =	vadd.f32 v12, v13  }
0xb5: {  	v9 =	vmul.f32 v9, v9;
	v11 =	vadd.f32 v11, v14  }
0xb6: {  	v8 =	vmul.f32 v8, v8;
	v10 =	vadd.f32 v10, v12  }
0xb7: {  	v9 =	vadd.f32 v9, v11  }
0xb8: {  	v8 =	vadd.f32 v8, v10  }
0xb9: {  	v53 =	vperm.xlane v9, v0  }
0xba: {  	v54 =	vperm.xlane v8, v0  }
0xbb: {  	v9 =	vadd.f32 v9, v53  }
0xbc: {  	v8 =	vadd.f32 v8, v54  }
0xbd: {  	v10 =	vperm.xlane v9, v1  }
0xbe: {  	v11 =	vperm.xlane v8, v1  }
0xbf: {  	v9 =	vadd.f32 v9, v10  }
0xc0: {  	v8 =	vadd.f32 v8, v11  }
0xc1: {  	v10 =	vperm.xlane v9, v2  }
0xc2: {  	v11 =	vperm.xlane v8, v2  }
0xc3: {  	v9 =	vadd.f32 v9, v10  }
0xc4: {  	v8 =	vadd.f32 v8, v11  }
0xc5: {  	v10 =	vperm.xlane v9, v3  }
0xc6: {  	v11 =	vperm.xlane v8, v3  }
0xc7: {  	v55 =	vmov s17;
	s23 =	sadd.s32 $0x1, s17;
	v9 =	vadd.f32 v9, v10  }
0xc8: {  	vm0 =	veq.s32 v55, v4;
	v56 =	vmov s23;
	v8 =	vadd.f32 v8, v11  }
0xc9: {  	vm10 =	veq.s32 v56, v4;
	v7 =	vsel vm0, v9, v7  }
0xca: {  	v7 =	vsel vm10, v8, v7  }
0xcb: {  	v7 =	vmax.f32 v7, $5.960464480e-08  }
0xcc: {  	v7 =	vmin.f32 v7, $1.099511630e+12  }
0xcd: {  	v8 =	vmul.f32 $1.677721600e+07, v7;
	_ =	sdelay $0x1  }
0xce: {  	v57 =	vmul.f32 $2.328306440e-10, v8  }
0xcf: {  	vm11 =	vge.f32 v8, $4.294967300e+09  }
0xd0: {  	v8 =	vsel vm11, v57, v8  }
0xd1: {  	v9 =	vmul.f32 $1.525878910e-05, v8  }
0xd2: {  	vm1 =	vge.f32 v8, $6.553600000e+04  }
0xd3: {  	v8 =	vsel vm1, v9, v8  }
0xd4: {  	v58 =	vsel vm11, $0x3D800000, v5;
	v59 =	vmul.f32 $3.906250000e-03, v8  }
0xd5: {  	v60 =	vmul.f32 $3.906250000e-03, v58;
	vm12 =	vge.f32 v8, $2.560000000e+02  }
0xd6: {  	v8 =	vsel vm12, v59, v8  }
0xd7: {  	v9 =	vsel vm1, v60, v58;
	v10 =	vmul.f32 $6.250000000e-02, v8  }
0xd8: {  	v11 =	vmul.f32 $6.250000000e-02, v9;
	vm13 =	vge.f32 v8, $1.600000000e+01  }
0xd9: {  	v8 =	vsel vm13, v10, v8  }
0xda: {  	v9 =	vsel vm12, v11, v9;
	v10 =	vmul.f32 $2.500000000e-01, v8  }
0xdb: {  	v11 =	vmul.f32 $2.500000000e-01, v9;
	vm14 =	vge.f32 v8, $4.000000000e+00  }
0xdc: {  	v8 =	vsel vm14, v10, v8  }
0xdd: {  	v9 =	vsel vm13, v11, v9;
	v10 =	vmul.f32 $5.000000000e-01, v8  }
0xde: {  	v11 =	vmul.f32 $5.000000000e-01, v9;
	vm15 =	vge.f32 v8, $2.000000000e+00  }
0xdf: {  	v8 =	vsel vm15, v10, v8  }
0xe0: {  	v9 =	vsel vm14, v11, v9;
	v8 =	vmul.f32 $-2.928999960e-01, v8  }
0xe1: {  	v61 =	vmul.f32 $7.071067690e-01, v9  }
0xe2: {  	v8 =	vadd.f32 $1.298900010e+00, v8  }
0xe3: {  	v9 =	vsel vm15, v61, v9  }
0xe4: {  	v62 =	vmul.f32 $5.000000000e-01, v7;
	v8 =	vmul.f32 v8, v9;
	_ =	sdelay $0x1  }
0xe5: {  	v63 =	vmul.f32 v8, v62;
	_ =	sdelay $0x1  }
0xe6: {  	v10 =	vmul.f32 v63, v8;
	_ =	sdelay $0x1  }
0xe7: {  	v10 =	vsub.f32 $1.500000000e+00, v10;
	_ =	sdelay $0x1  }
0xe8: {  	v8 =	vmul.f32 v10, v8;
	_ =	sdelay $0x1  }
0xe9: {  	v10 =	vmul.f32 v8, v62;
	_ =	sdelay $0x1  }
0xea: {  	v10 =	vmul.f32 v10, v8;
	_ =	sdelay $0x1  }
0xeb: {  	v10 =	vsub.f32 $1.500000000e+00, v10;
	_ =	sdelay $0x1  }
0xec: {  	v8 =	vmul.f32 v10, v8;
	_ =	sdelay $0x1  }
0xed: {  	v9 =	vmul.f32 v8, v62;
	_ =	sdelay $0x1  }
0xee: {  	v9 =	vmul.f32 v9, v8;
	_ =	sdelay $0x1  }
0xef: {  	v9 =	vsub.f32 $1.500000000e+00, v9;
	_ =	sdelay $0x1  }
0xf0: {  	s31 =	sshll.u32 s13, $0x4;
	s13 =	sadd.s32 $0x1, s13;
	v8 =	vmul.f32 v9, v8  }
0xf1: {  	p0 =	sne.s32 s13, $0x4  }
.Ltmp1:
0xf2: {  	v7 =	vmul.f32 v8, v7;
	(pc) =	sbr.rel @p0 .LBB2_3-.Ltmp1, $4  }
0xf3: {  	_ = 	snop  }
0xf4: {  	v7 =	vsub.f32 $0.0e+00, v7  }
0xf5: {  	s0 =	sand.u32 $0x3FFFFFF0, s31  }
0xf6: {  	s22 =	sadd.s32 $0x800, s22;
	s18 =	sadd.s32 $0x800, s18;
	s19 =	sadd.s32 $0x800, s19;
	[tilespmem:v6+s0+$0x0 ss:$0x1] =	vst.idx.msk $0xffff, v7  }
0xf7: {  	s30 =	sadd.s32 $0x1, s30  }
0xf8: {  	p0 =	sne.s32 s30, $0x8  }
.Ltmp2:
0xf9: {  	_ = 	snop;
	(pc) =	sbr.rel @p0 .LBB2_2-.Ltmp2, $2  }
0xfa: {  	_ =	sdelay $0x2  }
0xfb: {  	s29 =	sadd.s32 $0x1, s29  }
0xfc: {  	s28 =	sadd.s32 $0x1, s28  }
0xfd: {  	p0 =	sne.s32 s28, s12  }
.Ltmp3:
0xfe: {  	_ = 	snop;
	(pc) =	sbr.rel @p0 .LBB2_1-.Ltmp3, $4  }
0xff: {  	[hbm4b:s11+s4] =	stream.linear.scatter [tilespmem:s25], [sflag:$0xD], $0x200, $0x38;
	[tilespmem:$0x18600] =	vst v63  }
0x100: {  	_ =	swait.ge [sflag:s26], $0x200  }
0x101: {  	[sflag:s26] =	ssyncset.done $0x0  }
0x102: {  	[sflag:s26] =	ssyncadd.s32 $0xFFFFFE00  }
0x103: {  	_ =	sfence.sel $0x180000  }
0x104: {  	[bflag:$0x0] =	sbarrier.arrive $0xFFFF  }
0x105: {  	_ =	strace $0x90000047  }
0x106: {  	s0 =	stileid.u32;
	[bflag:$0x2] =	sbarrier.arrive $0xFFFF  }
0x107: {  	p0 =	sne.s32 s0, $0x0;
	s0 =	rddreg [dreg:$0x5]  }
0x108: {  	s0 =	sadd.s32 @!p0 $0x100000, s0  }
0x109: {  	[sflag:s0] =	ssyncadd.tile.s32 @!p0 $0x1;
	_ =	shalt  }
.Lfunc_end2:
_tile_overlayer_lowered:
.L_overlay_start_2:
0x10a: {  	(tag) =	ssettag $0x2  }
0x10b: {  	s0 =	rddreg [dreg:$0x0];
	s2 =	stileid.u32  }
0x10c: {  	s1 =	rddreg [dreg:$0x1];
	p0 =	sne.s32 s2, $0x0  }
0x10d: {  	s3 =	rddreg [dreg:$0x2];
	[bflag:$0x3] =	sbarrier.arrive $0xFFFF;
	s2 =	simm.s32 @!p0 $0x1C0D  }
0x10e: {  	[timem:s3], [sflag:s2] =	dma.local @!p0 [hbm:s0], s1  }
0x10f: {  	s0 =	simm.s32 @!p0 $0xD  }
0x110: {  	_ =	swait.ge @!p0 [sflag:s0], s1  }
0x111: {  	s1 =	ssub.s32 @!p0 $0x0, s1;
	[sflag:s0] =	ssyncset.done @!p0 $0x0  }
0x112: {  	[sflag:s0] =	ssyncadd.s32 @!p0 s1  }
0x113: {  	[bflag:$0x3] =	sbarrier.arrive $0xFFFF  }
0x114: {  	_ =	shalt  }

</sc_bundles>
